<compile_context>
chip_gen: v7x
topology: tpu7x:2x2x1
jax: 0.10.2.dev20260603
libtpu: 0.0.44.dev20260713+nightly
codegen_flags: <defaults>
</compile_context>

<pallas_src>
import jax
import jax.numpy as jnp
from jax import lax
from jax.experimental import pallas as pl
from jax.experimental.pallas import tpu as pltpu
from jax.experimental.pallas import tpu_sc as plsc

_NUM_CLASSES = 21
_THRESHOLD = 0.5
_NEGPOS_RATIO = 3
_V0 = 0.1
_V1 = 0.2
_B = 32
_P = 8732
_O = 12
_PPAD = 8736
_CH = _PPAD // 16
_U = 7
_CHU = _CH // _U


def _tc_body(loc_ref, conf_ref, paug_ref, targets_ref, targets_t_ref,
             ll_ref, lc_ref, ce_ref):
    b = pl.program_id(0)

    x1p = paug_ref[0:1, :]
    y1p = paug_ref[1:2, :]
    x2p = paug_ref[2:3, :]
    y2p = paug_ref[3:4, :]
    area_p = paug_ref[4:5, :]
    px = paug_ref[5, :]
    py = paug_ref[6, :]
    inv_v0pw = paug_ref[7, :]
    inv_v0ph = paug_ref[8, :]
    inv_pw = paug_ref[9, :]
    inv_ph = paug_ref[10, :]

    t = targets_ref[0]
    tx1 = t[:, 0:1]
    ty1 = t[:, 1:2]
    tx2 = t[:, 2:3]
    ty2 = t[:, 3:4]
    area_t = (tx2 - tx1) * (ty2 - ty1)
    iw = jnp.maximum(jnp.minimum(x2p, tx2) - jnp.maximum(x1p, tx1), 0.0)
    ih = jnp.maximum(jnp.minimum(y2p, ty2) - jnp.maximum(y1p, ty1), 0.0)
    inter = iw * ih
    iou = inter / (area_p + area_t - inter)

    oio = lax.broadcasted_iota(jnp.int32, (_O, _P), 0)
    lio = lax.broadcasted_iota(jnp.int32, (_O, _P), 1)

    bv0 = jnp.max(iou, axis=0)
    bti0 = jnp.min(jnp.where(iou == bv0[None, :], oio, _O), axis=0)
    m = jnp.max(iou, axis=1, keepdims=True)
    bpi = jnp.min(jnp.where(iou == m, lio, _P), axis=1, keepdims=True)

    fm = lio == bpi
    f_o = jnp.max(jnp.where(fm, oio, -1), axis=0)
    f_any = f_o >= 0
    bv = jnp.where(f_any, 2.0, bv0)
    bti = jnp.where(f_any, f_o, bti0)

    onehotf = (oio == bti[None, :]).astype(jnp.float32)
    matched = lax.dot_general(
        targets_t_ref[0], onehotf, (((1,), (0,)), ((), ())),
        preferred_element_type=jnp.float32)
    mx1 = matched[0, :]
    my1 = matched[1, :]
    mx2 = matched[2, :]
    my2 = matched[3, :]
    labf = matched[4, :]

    conf_t = jnp.where(bv < _THRESHOLD, 0.0, labf + 1.0)
    pos = conf_t > 0.0
    posf = pos.astype(jnp.float32)

    gcx = ((mx1 + mx2) * 0.5 - px) * inv_v0pw
    gcy = ((my1 + my2) * 0.5 - py) * inv_v0ph
    gw = jnp.log((mx2 - mx1) * inv_pw) * (1.0 / _V1)
    gh = jnp.log((my2 - my1) * inv_ph) * (1.0 / _V1)
    ll = jnp.float32(0.0)
    for c, g in enumerate((gcx, gcy, gw, gh)):
        d = loc_ref[0, c, :] - g
        ad = jnp.abs(d)
        sl1 = jnp.where(ad < 1.0, 0.5 * d * d, ad - 0.5)
        ll = ll + jnp.sum(sl1 * posf)

    conf = conf_ref[0]
    rmax = jnp.max(conf, axis=0)
    s = jnp.sum(jnp.exp(conf - rmax[None, :]), axis=0)
    lse = jnp.log(s) + rmax
    cio = lax.broadcasted_iota(jnp.int32, (_NUM_CLASSES, _P), 0)
    conf_t_i = conf_t.astype(jnp.int32)
    g = jnp.sum(jnp.where(cio == conf_t_i[None, :], conf, 0.0), axis=0)
    ce = lse - g

    ce_m = jnp.where(pos, -2.0, ce)
    ce_ref[0, 0, :] = jnp.concatenate(
        [ce_m, jnp.full((_PPAD - _P,), -3.0, jnp.float32)])

    @pl.when(b == 0)
    def _init():
        ll_ref[0, 0] = 0.0
        lc_ref[0, 0] = 0.0

    ll_ref[0, 0] += ll
    lc_ref[0, 0] += jnp.sum(ce * posf)


def _sc_mine(ce_hbm, out_hbm, ce_v, row_v, red_v):
    img = lax.axis_index("s") * 2 + lax.axis_index("c")
    pltpu.sync_copy(ce_hbm.at[img], ce_v)

    zero16 = jnp.zeros((16,), jnp.float32)
    li = lax.iota(jnp.int32, 16)
    bfly = [li ^ 8, li ^ 4, li ^ 2, li ^ 1]

    def lane_red(v, op):
        for idx in bfly:
            red_v[...] = v
            v = op(v, plsc.load_gather(red_v, [idx]))
        return v

    def scan0(i, carry):
        mx, npv = carry
        for j in range(_U):
            ch = ce_v[pl.ds(i * (16 * _U) + 16 * j, 16)]
            mx = jnp.maximum(mx, ch)
            npv = npv + jnp.where(ch == -2.0, 1.0, 0.0)
        return mx, npv

    mx16, np16 = lax.fori_loop(
        0, _CHU, scan0, (jnp.full((16,), -10.0, jnp.float32), zero16))
    npos = lane_red(np16, jnp.add)
    k = jnp.minimum(_NEGPOS_RATIO * npos, jnp.float32(_P - 1))
    k = jnp.minimum(k, jnp.float32(_P) - npos)

    def bis(_, carry):
        lo, hi = carry
        mid = 0.5 * (lo + hi)

        def cnt_body(i, acc):
            for j in range(_U):
                ch = ce_v[pl.ds(i * (16 * _U) + 16 * j, 16)]
                acc = acc + jnp.where(ch > mid, 1.0, 0.0)
            return acc

        cn = lane_red(lax.fori_loop(0, _CHU, cnt_body, zero16), jnp.add)
        geq = cn >= k
        return jnp.where(geq, mid, lo), jnp.where(geq, hi, mid)

    lo, hi = lax.fori_loop(
        0, 24, bis,
        (jnp.full((16,), -1.0, jnp.float32),
         lane_red(mx16, jnp.maximum) + 1.0))

    def fin(i, carry):
        cnt, ssum = carry
        for j in range(_U):
            ch = ce_v[pl.ds(i * (16 * _U) + 16 * j, 16)]
            gt = ch > hi
            cnt = cnt + jnp.where(gt, 1.0, 0.0)
            ssum = ssum + jnp.where(gt, ch, 0.0)
        return cnt, ssum

    cnt16, ssum16 = lax.fori_loop(0, _CHU, fin, (zero16, zero16))
    s_top = lane_red(ssum16, jnp.add) + (k - lane_red(cnt16, jnp.add)) * hi

    row_v[...] = jnp.where(li == 0, s_top, jnp.where(li == 1, npos, 0.0))
    pltpu.sync_copy(row_v, out_hbm.at[img])


@jax.jit
def kernel(loc_data, conf_data, priors, targets):
    loc_t = jnp.transpose(loc_data, (0, 2, 1))
    conf_t2 = jnp.transpose(conf_data, (0, 2, 1))
    targets_t = jnp.transpose(targets, (0, 2, 1))

    px, py, pw, ph = priors[:, 0], priors[:, 1], priors[:, 2], priors[:, 3]
    paug = jnp.stack([
        px - pw * 0.5, py - ph * 0.5, px + pw * 0.5, py + ph * 0.5,
        pw * ph, px, py,
        1.0 / (_V0 * pw), 1.0 / (_V0 * ph), 1.0 / pw, 1.0 / ph,
    ], axis=0)

    scalar_spec = pl.BlockSpec((1, 1), lambda b: (0, 0),
                               memory_space=pltpu.SMEM)
    ll, lc_pos, ce_all = pl.pallas_call(
        _tc_body,
        grid=(_B,),
        in_specs=[
            pl.BlockSpec((1, 4, _P), lambda b: (b, 0, 0)),
            pl.BlockSpec((1, _NUM_CLASSES, _P), lambda b: (b, 0, 0)),
            pl.BlockSpec((11, _P), lambda b: (0, 0)),
            pl.BlockSpec((1, _O, 5), lambda b: (b, 0, 0)),
            pl.BlockSpec((1, 5, _O), lambda b: (b, 0, 0)),
        ],
        out_specs=[scalar_spec, scalar_spec,
                   pl.BlockSpec((1, 1, _PPAD), lambda b: (b, 0, 0))],
        out_shape=[jax.ShapeDtypeStruct((1, 1), jnp.float32),
                   jax.ShapeDtypeStruct((1, 1), jnp.float32),
                   jax.ShapeDtypeStruct((_B, 1, _PPAD), jnp.float32)],
    )(loc_t, conf_t2, paug, targets, targets_t)

    mine = pl.kernel(
        _sc_mine,
        out_type=jax.ShapeDtypeStruct((_B, 16), jnp.float32),
        mesh=plsc.VectorSubcoreMesh(core_axis_name="c",
                                    subcore_axis_name="s"),
        scratch_types=[pltpu.VMEM((_PPAD,), jnp.float32),
                       pltpu.VMEM((16,), jnp.float32),
                       pltpu.VMEM((16,), jnp.float32)],
        compiler_params=pltpu.CompilerParams(needs_layout_passes=False),
    )
    rows = mine(jnp.reshape(ce_all, (_B, _PPAD)))

    n = jnp.sum(rows[:, 1])
    lc = lc_pos[0, 0] + jnp.sum(rows[:, 0])
    return (ll[0, 0] / n, lc / n)

# --- scband reference (transcript-rebuilt; emitter-appended) ---
"""Pipeline reference for scband-multi-box-loss-20675972563168 (READ-ONLY COPY).

The authoritative reference and input builder live on the scoring server;
editing this copy changes nothing except your own understanding.
"""

import jax, jax.numpy as jnp
import numpy as np

NUM_CLASSES = 21
THRESHOLD = 0.5
NEGPOS_RATIO = 3
VARIANCE = (0.1, 0.2)


def point_form(boxes):
    return jnp.concatenate([boxes[:, :2] - boxes[:, 2:] / 2,
                            boxes[:, :2] + boxes[:, 2:] / 2], axis=1)


def intersect(box_a, box_b):
    max_xy = jnp.minimum(box_a[:, None, 2:], box_b[None, :, 2:])
    min_xy = jnp.maximum(box_a[:, None, :2], box_b[None, :, :2])
    inter = jnp.clip(max_xy - min_xy, 0.0, None)
    return inter[..., 0] * inter[..., 1]


def jaccard(box_a, box_b):
    inter = intersect(box_a, box_b)
    area_a = ((box_a[:, 2] - box_a[:, 0]) * (box_a[:, 3] - box_a[:, 1]))[:, None]
    area_b = ((box_b[:, 2] - box_b[:, 0]) * (box_b[:, 3] - box_b[:, 1]))[None, :]
    return inter / (area_a + area_b - inter)


def encode(matched, priors, variances):
    g_cxcy = (matched[:, :2] + matched[:, 2:]) / 2 - priors[:, :2]
    g_cxcy = g_cxcy / (variances[0] * priors[:, 2:])
    g_wh = (matched[:, 2:] - matched[:, :2]) / priors[:, 2:]
    g_wh = jnp.log(g_wh) / variances[1]
    return jnp.concatenate([g_cxcy, g_wh], axis=1)


def match_single(truths, labels, priors):
    overlaps = jaccard(truths, point_form(priors))  # [O, P]
    best_prior_idx = jnp.argmax(overlaps, axis=1)   # [O]
    best_truth_overlap = jnp.max(overlaps, axis=0)  # [P]
    best_truth_idx = jnp.argmax(overlaps, axis=0)   # [P]
    best_truth_overlap = best_truth_overlap.at[best_prior_idx].set(2.0)
    best_truth_idx = best_truth_idx.at[best_prior_idx].set(
        jnp.arange(truths.shape[0]))
    matches = truths[best_truth_idx]                # [P, 4]
    conf = labels[best_truth_idx].astype(jnp.int32) + 1
    conf = jnp.where(best_truth_overlap < THRESHOLD, 0, conf)
    loc = encode(matches, priors, VARIANCE)
    return loc, conf


def setup_inputs(seed: int = 0):
    key = jax.random.key(seed)
    k1, k2, k3, k4, k5, k6, k7 = jax.random.split(key, 7)
    B, P, C, O = 32, 8732, 21, 12
    loc_data = jax.random.normal(k1, (B, P, 4), dtype=jnp.float32)
    conf_data = jax.random.normal(k2, (B, P, C), dtype=jnp.float32)
    # priors in (cx, cy, w, h) center-size form, positive sizes
    pc = jax.random.uniform(k3, (P, 2), minval=0.05, maxval=0.95)
    pwh = jax.random.uniform(k4, (P, 2), minval=0.05, maxval=0.5)
    priors = jnp.concatenate([pc, pwh], axis=1).astype(jnp.float32)
    # targets [B, O, 5] = (x1, y1, x2, y2, label) with valid corner boxes
    tc = jax.random.uniform(k5, (B, O, 2), minval=0.2, maxval=0.8)
    twh = jax.random.uniform(k6, (B, O, 2), minval=0.05, maxval=0.35)
    boxes = jnp.concatenate([jnp.clip(tc - twh / 2, 0.0, 1.0),
                             jnp.clip(tc + twh / 2, 0.0, 1.0)], axis=-1)
    labels = jax.random.randint(k7, (B, O, 1), 0, C - 1).astype(jnp.float32)
    targets = jnp.concatenate([boxes, labels], axis=-1).astype(jnp.float32)
    return {'loc_data': loc_data, 'conf_data': conf_data,
            'priors': priors, 'targets': targets}


def reference(loc_data, conf_data, priors, targets):
    num, num_priors = loc_data.shape[0], loc_data.shape[1]
    C = NUM_CLASSES
    truths = targets[:, :, :-1]
    labels = targets[:, :, -1]
    loc_t, conf_t = jax.vmap(match_single, in_axes=(0, 0, None))(
        truths, labels, priors)
    pos = conf_t > 0  # [B, P]
    # localization smooth-L1 loss, summed over positive priors
    diff = loc_data - loc_t
    abs_diff = jnp.abs(diff)
    sl1 = jnp.where(abs_diff < 1.0, 0.5 * diff * diff, abs_diff - 0.5)
    loss_l = jnp.sum(sl1 * pos[:, :, None].astype(sl1.dtype))
    # hard negative mining score (log_sum_exp with global max, as in original)
    batch_conf = conf_data.reshape(-1, C)
    x_max = jnp.max(batch_conf)
    lse = jnp.log(jnp.sum(jnp.exp(batch_conf - x_max), axis=1,
                          keepdims=True)) + x_max
    gathered = jnp.take_along_axis(batch_conf, conf_t.reshape(-1, 1), axis=1)
    loss_c = (lse - gathered).reshape(num, -1)
    loss_c = jnp.where(pos, 0.0, loss_c)
    loss_idx = jnp.argsort(-loss_c, axis=1)
    idx_rank = jnp.argsort(loss_idx, axis=1)
    num_pos = jnp.sum(pos.astype(jnp.int32), axis=1, keepdims=True)
    num_neg = jnp.clip(NEGPOS_RATIO * num_pos, None, num_priors - 1)
    neg = idx_rank < num_neg
    sel = jnp.logical_or(pos, neg)
    # cross-entropy (sum) over selected priors == F.cross_entropy on conf_p
    row_lse = jax.nn.logsumexp(conf_data, axis=2)
    row_gather = jnp.take_along_axis(conf_data, conf_t[:, :, None], axis=2)[:, :, 0]
    ce = row_lse - row_gather
    loss_conf = jnp.sum(ce * sel.astype(ce.dtype))
    N = jnp.sum(num_pos).astype(jnp.float32)
    return (loss_l / N, loss_conf / N)

if __name__ == "__main__":
    import jax
    _d = setup_inputs()
    print(jax.jit(kernel)(*tuple(_d.values())))

</pallas_src>

<mosaic_0001>
#map = affine_map<(d0, d1) -> (0, 0)>
module attributes {stable_mosaic.version = 14 : i64} {
  func.func @_sc_mine(%arg0: i32, %arg1: i32, %arg2: memref<32x8736xf32, #tpu.memory_space<hbm>>, %arg3: memref<32x16xf32, #tpu.memory_space<hbm>>, %arg4: memref<8736xf32, #tpu.memory_space<vmem>>, %arg5: memref<16xf32, #tpu.memory_space<vmem>>, %arg6: memref<16xf32, #tpu.memory_space<vmem>>) attributes {dimension_semantics = [#tpu.dimension_semantics<core_parallel>, #tpu.dimension_semantics<subcore_parallel>], iteration_bounds = array<i64: 2, 16>, scalar_prefetch = 0 : i64, scratch_operands = 3 : i64, tpu.core_type = #tpu.core_type<sc_vector_subcore>, window_params = [{transform_indices = #map}, {transform_indices = #map}]} {
    %mul3A = arith.constant 2 : i32
    %mul3A_0 = arith.muli %arg1, %mul3A : i32
    %add3A = arith.addi %mul3A_0, %arg0 : i32
    "tpu.region"() ({
      %run_scoped3A = tpu.sem_alloc : memref<!tpu.dma_semaphore, #tpu.memory_space<semaphore_mem>>
      %dma_start3A = arith.constant 0 : i32
      %dma_start3A_118 = tpu.memref_slice %arg2[%add3A, %dma_start3A] : memref<32x8736xf32, #tpu.memory_space<hbm>> -> memref<1x8736xf32, #tpu.memory_space<hbm>>
      %dma_start3A_119 = tpu.memref_squeeze %dma_start3A_118 : memref<1x8736xf32, #tpu.memory_space<hbm>> -> memref<8736xf32, #tpu.memory_space<hbm>>
      %dma_start3A_120 = arith.constant 0 : i32
      %dma_start3A_121 = tpu.memref_slice %arg2[%add3A, %dma_start3A_120] : memref<32x8736xf32, #tpu.memory_space<hbm>> -> memref<1x8736xf32, #tpu.memory_space<hbm>>
      %dma_start3A_122 = tpu.memref_squeeze %dma_start3A_121 : memref<1x8736xf32, #tpu.memory_space<hbm>> -> memref<8736xf32, #tpu.memory_space<hbm>>
      tpu.enqueue_dma source(%dma_start3A_122 : memref<8736xf32, #tpu.memory_space<hbm>>) target(%arg4 : memref<8736xf32, #tpu.memory_space<vmem>>) target_semaphore(%run_scoped3A : memref<!tpu.dma_semaphore, #tpu.memory_space<semaphore_mem>>)
      %dma_wait3A = arith.constant 0 : i32
      %dma_wait3A_123 = tpu.memref_slice %arg2[%add3A, %dma_wait3A] : memref<32x8736xf32, #tpu.memory_space<hbm>> -> memref<1x8736xf32, #tpu.memory_space<hbm>>
      %dma_wait3A_124 = tpu.memref_squeeze %dma_wait3A_123 : memref<1x8736xf32, #tpu.memory_space<hbm>> -> memref<8736xf32, #tpu.memory_space<hbm>>
      %dma_wait3A_125 = arith.constant 0 : i32
      %dma_wait3A_126 = tpu.memref_slice %arg2[%add3A, %dma_wait3A_125] : memref<32x8736xf32, #tpu.memory_space<hbm>> -> memref<1x8736xf32, #tpu.memory_space<hbm>>
      %dma_wait3A_127 = tpu.memref_squeeze %dma_wait3A_126 : memref<1x8736xf32, #tpu.memory_space<hbm>> -> memref<8736xf32, #tpu.memory_space<hbm>>
      tpu.wait_dma2 semaphore(%run_scoped3A : memref<!tpu.dma_semaphore, #tpu.memory_space<semaphore_mem>>) src(%dma_wait3A_127 : memref<8736xf32, #tpu.memory_space<hbm>>) dst(%arg4 : memref<8736xf32, #tpu.memory_space<vmem>>)
      tpu.yield
    }) : () -> ()
    %broadcast_in_dim3A = arith.constant 0.000000e+00 : f32
    %broadcast_in_dim3A_1 = vector.broadcast %broadcast_in_dim3A : f32 to vector<16xf32>
    %iota3A = tpu.iota {dimensions = array<i32: 0>} : vector<16xi32>
    %xor3A = arith.constant 8 : i32
    %xor3A_2 = vector.broadcast %xor3A : i32 to vector<16xi32>
    %xor3A_3 = arith.xori %iota3A, %xor3A_2 : vector<16xi32>
    %xor3A_4 = arith.constant 4 : i32
    %xor3A_5 = vector.broadcast %xor3A_4 : i32 to vector<16xi32>
    %xor3A_6 = arith.xori %iota3A, %xor3A_5 : vector<16xi32>
    %xor3A_7 = arith.constant 2 : i32
    %xor3A_8 = vector.broadcast %xor3A_7 : i32 to vector<16xi32>
    %xor3A_9 = arith.xori %iota3A, %xor3A_8 : vector<16xi32>
    %xor3A_10 = arith.constant 1 : i32
    %xor3A_11 = vector.broadcast %xor3A_10 : i32 to vector<16xi32>
    %xor3A_12 = arith.xori %iota3A, %xor3A_11 : vector<16xi32>
    %broadcast_in_dim3A_13 = arith.constant -1.000000e+01 : f32
    %broadcast_in_dim3A_14 = vector.broadcast %broadcast_in_dim3A_13 : f32 to vector<16xf32>
    %scan3A = arith.constant 0 : i32
    %scan3A_15 = arith.constant 78 : i32
    %scan3A_16 = arith.addi %scan3A, %scan3A_15 : i32
    %scan3A_17 = arith.constant 1 : i32
    %scan3A_18:2 = scf.for %scan3A_118 = %scan3A to %scan3A_16 step %scan3A_17 iter_args(%scan3A_119 = %broadcast_in_dim3A_14, %scan3A_120 = %broadcast_in_dim3A_1) -> (vector<16xf32>, vector<16xf32>)  : i32 {
      %mul3A_121 = arith.constant 112 : i32
      %mul3A_122 = arith.muli %scan3A_118, %mul3A_121 : i32
      %add3A_123 = arith.constant 0 : i32
      %add3A_124 = arith.addi %mul3A_122, %add3A_123 : i32
      %get3A = arith.index_cast %add3A_124 : i32 to index
      %get3A_125 = tpu.vector_load %arg4[%get3A] {strides = array<i32>} : memref<8736xf32, #tpu.memory_space<vmem>>, vector<16xf32>,
      %max3A_126 = arith.maximumf %scan3A_119, %get3A_125 : vector<16xf32>
      %eq3A_127 = arith.constant -2.000000e+00 : f32
      %eq3A_128 = vector.broadcast %eq3A_127 : f32 to vector<16xf32>
      %eq3A_129 = arith.cmpf oeq, %get3A_125, %eq3A_128 : vector<16xf32>
      %jit3A_130 = arith.constant 1.000000e+00 : f32
      %jit3A_131 = arith.constant 0.000000e+00 : f32
      %broadcast_in_dim3A_132 = vector.broadcast %jit3A_130 : f32 to vector<16xf32>
      %broadcast_in_dim3A_133 = vector.broadcast %jit3A_131 : f32 to vector<16xf32>
      %select_n3A_134 = arith.select %eq3A_129, %broadcast_in_dim3A_132, %broadcast_in_dim3A_133 : vector<16xi1>, vector<16xf32>
      %add3A_135 = arith.addf %scan3A_120, %select_n3A_134 : vector<16xf32>
      %mul3A_136 = arith.constant 112 : i32
      %mul3A_137 = arith.muli %scan3A_118, %mul3A_136 : i32
      %add3A_138 = arith.constant 16 : i32
      %add3A_139 = arith.addi %mul3A_137, %add3A_138 : i32
      %get3A_140 = arith.index_cast %add3A_139 : i32 to index
      %get3A_141 = tpu.vector_load %arg4[%get3A_140] {strides = array<i32>} : memref<8736xf32, #tpu.memory_space<vmem>>, vector<16xf32>,
      %max3A_142 = arith.maximumf %max3A_126, %get3A_141 : vector<16xf32>
      %eq3A_143 = arith.constant -2.000000e+00 : f32
      %eq3A_144 = vector.broadcast %eq3A_143 : f32 to vector<16xf32>
      %eq3A_145 = arith.cmpf oeq, %get3A_141, %eq3A_144 : vector<16xf32>
      %jit3A_146 = arith.constant 1.000000e+00 : f32
      %jit3A_147 = arith.constant 0.000000e+00 : f32
      %broadcast_in_dim3A_148 = vector.broadcast %jit3A_146 : f32 to vector<16xf32>
      %broadcast_in_dim3A_149 = vector.broadcast %jit3A_147 : f32 to vector<16xf32>
      %select_n3A_150 = arith.select %eq3A_145, %broadcast_in_dim3A_148, %broadcast_in_dim3A_149 : vector<16xi1>, vector<16xf32>
      %add3A_151 = arith.addf %add3A_135, %select_n3A_150 : vector<16xf32>
      %mul3A_152 = arith.constant 112 : i32
      %mul3A_153 = arith.muli %scan3A_118, %mul3A_152 : i32
      %add3A_154 = arith.constant 32 : i32
      %add3A_155 = arith.addi %mul3A_153, %add3A_154 : i32
      %get3A_156 = arith.index_cast %add3A_155 : i32 to index
      %get3A_157 = tpu.vector_load %arg4[%get3A_156] {strides = array<i32>} : memref<8736xf32, #tpu.memory_space<vmem>>, vector<16xf32>,
      %max3A_158 = arith.maximumf %max3A_142, %get3A_157 : vector<16xf32>
      %eq3A_159 = arith.constant -2.000000e+00 : f32
      %eq3A_160 = vector.broadcast %eq3A_159 : f32 to vector<16xf32>
      %eq3A_161 = arith.cmpf oeq, %get3A_157, %eq3A_160 : vector<16xf32>
      %jit3A_162 = arith.constant 1.000000e+00 : f32
      %jit3A_163 = arith.constant 0.000000e+00 : f32
      %broadcast_in_dim3A_164 = vector.broadcast %jit3A_162 : f32 to vector<16xf32>
      %broadcast_in_dim3A_165 = vector.broadcast %jit3A_163 : f32 to vector<16xf32>
      %select_n3A_166 = arith.select %eq3A_161, %broadcast_in_dim3A_164, %broadcast_in_dim3A_165 : vector<16xi1>, vector<16xf32>
      %add3A_167 = arith.addf %add3A_151, %select_n3A_166 : vector<16xf32>
      %mul3A_168 = arith.constant 112 : i32
      %mul3A_169 = arith.muli %scan3A_118, %mul3A_168 : i32
      %add3A_170 = arith.constant 48 : i32
      %add3A_171 = arith.addi %mul3A_169, %add3A_170 : i32
      %get3A_172 = arith.index_cast %add3A_171 : i32 to index
      %get3A_173 = tpu.vector_load %arg4[%get3A_172] {strides = array<i32>} : memref<8736xf32, #tpu.memory_space<vmem>>, vector<16xf32>,
      %max3A_174 = arith.maximumf %max3A_158, %get3A_173 : vector<16xf32>
      %eq3A_175 = arith.constant -2.000000e+00 : f32
      %eq3A_176 = vector.broadcast %eq3A_175 : f32 to vector<16xf32>
      %eq3A_177 = arith.cmpf oeq, %get3A_173, %eq3A_176 : vector<16xf32>
      %jit3A_178 = arith.constant 1.000000e+00 : f32
      %jit3A_179 = arith.constant 0.000000e+00 : f32
      %broadcast_in_dim3A_180 = vector.broadcast %jit3A_178 : f32 to vector<16xf32>
      %broadcast_in_dim3A_181 = vector.broadcast %jit3A_179 : f32 to vector<16xf32>
      %select_n3A_182 = arith.select %eq3A_177, %broadcast_in_dim3A_180, %broadcast_in_dim3A_181 : vector<16xi1>, vector<16xf32>
      %add3A_183 = arith.addf %add3A_167, %select_n3A_182 : vector<16xf32>
      %mul3A_184 = arith.constant 112 : i32
      %mul3A_185 = arith.muli %scan3A_118, %mul3A_184 : i32
      %add3A_186 = arith.constant 64 : i32
      %add3A_187 = arith.addi %mul3A_185, %add3A_186 : i32
      %get3A_188 = arith.index_cast %add3A_187 : i32 to index
      %get3A_189 = tpu.vector_load %arg4[%get3A_188] {strides = array<i32>} : memref<8736xf32, #tpu.memory_space<vmem>>, vector<16xf32>,
      %max3A_190 = arith.maximumf %max3A_174, %get3A_189 : vector<16xf32>
      %eq3A_191 = arith.constant -2.000000e+00 : f32
      %eq3A_192 = vector.broadcast %eq3A_191 : f32 to vector<16xf32>
      %eq3A_193 = arith.cmpf oeq, %get3A_189, %eq3A_192 : vector<16xf32>
      %jit3A_194 = arith.constant 1.000000e+00 : f32
      %jit3A_195 = arith.constant 0.000000e+00 : f32
      %broadcast_in_dim3A_196 = vector.broadcast %jit3A_194 : f32 to vector<16xf32>
      %broadcast_in_dim3A_197 = vector.broadcast %jit3A_195 : f32 to vector<16xf32>
      %select_n3A_198 = arith.select %eq3A_193, %broadcast_in_dim3A_196, %broadcast_in_dim3A_197 : vector<16xi1>, vector<16xf32>
      %add3A_199 = arith.addf %add3A_183, %select_n3A_198 : vector<16xf32>
      %mul3A_200 = arith.constant 112 : i32
      %mul3A_201 = arith.muli %scan3A_118, %mul3A_200 : i32
      %add3A_202 = arith.constant 80 : i32
      %add3A_203 = arith.addi %mul3A_201, %add3A_202 : i32
      %get3A_204 = arith.index_cast %add3A_203 : i32 to index
      %get3A_205 = tpu.vector_load %arg4[%get3A_204] {strides = array<i32>} : memref<8736xf32, #tpu.memory_space<vmem>>, vector<16xf32>,
      %max3A_206 = arith.maximumf %max3A_190, %get3A_205 : vector<16xf32>
      %eq3A_207 = arith.constant -2.000000e+00 : f32
      %eq3A_208 = vector.broadcast %eq3A_207 : f32 to vector<16xf32>
      %eq3A_209 = arith.cmpf oeq, %get3A_205, %eq3A_208 : vector<16xf32>
      %jit3A_210 = arith.constant 1.000000e+00 : f32
      %jit3A_211 = arith.constant 0.000000e+00 : f32
      %broadcast_in_dim3A_212 = vector.broadcast %jit3A_210 : f32 to vector<16xf32>
      %broadcast_in_dim3A_213 = vector.broadcast %jit3A_211 : f32 to vector<16xf32>
      %select_n3A_214 = arith.select %eq3A_209, %broadcast_in_dim3A_212, %broadcast_in_dim3A_213 : vector<16xi1>, vector<16xf32>
      %add3A_215 = arith.addf %add3A_199, %select_n3A_214 : vector<16xf32>
      %mul3A_216 = arith.constant 112 : i32
      %mul3A_217 = arith.muli %scan3A_118, %mul3A_216 : i32
      %add3A_218 = arith.constant 96 : i32
      %add3A_219 = arith.addi %mul3A_217, %add3A_218 : i32
      %get3A_220 = arith.index_cast %add3A_219 : i32 to index
      %get3A_221 = tpu.vector_load %arg4[%get3A_220] {strides = array<i32>} : memref<8736xf32, #tpu.memory_space<vmem>>, vector<16xf32>,
      %max3A_222 = arith.maximumf %max3A_206, %get3A_221 : vector<16xf32>
      %eq3A_223 = arith.constant -2.000000e+00 : f32
      %eq3A_224 = vector.broadcast %eq3A_223 : f32 to vector<16xf32>
      %eq3A_225 = arith.cmpf oeq, %get3A_221, %eq3A_224 : vector<16xf32>
      %jit3A_226 = arith.constant 1.000000e+00 : f32
      %jit3A_227 = arith.constant 0.000000e+00 : f32
      %broadcast_in_dim3A_228 = vector.broadcast %jit3A_226 : f32 to vector<16xf32>
      %broadcast_in_dim3A_229 = vector.broadcast %jit3A_227 : f32 to vector<16xf32>
      %select_n3A_230 = arith.select %eq3A_225, %broadcast_in_dim3A_228, %broadcast_in_dim3A_229 : vector<16xi1>, vector<16xf32>
      %add3A_231 = arith.addf %add3A_215, %select_n3A_230 : vector<16xf32>
      scf.yield %max3A_222, %add3A_231 : vector<16xf32>, vector<16xf32>
    }
    %scan3A_19 = arith.constant 78 : i32
    %swap3A = arith.constant 0 : index
    %swap3A_20 = tpu.vector_load %arg6[%swap3A] {strides = array<i32>} : memref<16xf32, #tpu.memory_space<vmem>>, vector<16xf32>,
    tpu.vector_store %arg6[%swap3A], %scan3A_18#1 {strides = array<i32>} : memref<16xf32, #tpu.memory_space<vmem>>, vector<16xf32>,
    %gather3A = tpu.vector_load_idx %arg6[%xor3A_3] : memref<16xf32, #tpu.memory_space<vmem>>[vector<16xi32>], vector<16xf32>,
    %add3A_21 = arith.addf %scan3A_18#1, %gather3A : vector<16xf32>
    %swap3A_22 = arith.constant 0 : index
    %swap3A_23 = tpu.vector_load %arg6[%swap3A_22] {strides = array<i32>} : memref<16xf32, #tpu.memory_space<vmem>>, vector<16xf32>,
    tpu.vector_store %arg6[%swap3A_22], %add3A_21 {strides = array<i32>} : memref<16xf32, #tpu.memory_space<vmem>>, vector<16xf32>,
    %gather3A_24 = tpu.vector_load_idx %arg6[%xor3A_6] : memref<16xf32, #tpu.memory_space<vmem>>[vector<16xi32>], vector<16xf32>,
    %add3A_25 = arith.addf %add3A_21, %gather3A_24 : vector<16xf32>
    %swap3A_26 = arith.constant 0 : index
    %swap3A_27 = tpu.vector_load %arg6[%swap3A_26] {strides = array<i32>} : memref<16xf32, #tpu.memory_space<vmem>>, vector<16xf32>,
    tpu.vector_store %arg6[%swap3A_26], %add3A_25 {strides = array<i32>} : memref<16xf32, #tpu.memory_space<vmem>>, vector<16xf32>,
    %gather3A_28 = tpu.vector_load_idx %arg6[%xor3A_9] : memref<16xf32, #tpu.memory_space<vmem>>[vector<16xi32>], vector<16xf32>,
    %add3A_29 = arith.addf %add3A_25, %gather3A_28 : vector<16xf32>
    %swap3A_30 = arith.constant 0 : index
    %swap3A_31 = tpu.vector_load %arg6[%swap3A_30] {strides = array<i32>} : memref<16xf32, #tpu.memory_space<vmem>>, vector<16xf32>,
    tpu.vector_store %arg6[%swap3A_30], %add3A_29 {strides = array<i32>} : memref<16xf32, #tpu.memory_space<vmem>>, vector<16xf32>,
    %gather3A_32 = tpu.vector_load_idx %arg6[%xor3A_12] : memref<16xf32, #tpu.memory_space<vmem>>[vector<16xi32>], vector<16xf32>,
    %add3A_33 = arith.addf %add3A_29, %gather3A_32 : vector<16xf32>
    %mul3A_34 = arith.constant 3.000000e+00 : f32
    %mul3A_35 = vector.broadcast %mul3A_34 : f32 to vector<16xf32>
    %mul3A_36 = arith.mulf %mul3A_35, %add3A_33 : vector<16xf32>
    %min3A = arith.constant 8.731000e+03 : f32
    %min3A_37 = vector.broadcast %min3A : f32 to vector<16xf32>
    %min3A_38 = arith.minimumf %mul3A_36, %min3A_37 : vector<16xf32>
    %sub3A = arith.constant 8.732000e+03 : f32
    %sub3A_39 = vector.broadcast %sub3A : f32 to vector<16xf32>
    %sub3A_40 = arith.subf %sub3A_39, %add3A_33 : vector<16xf32>
    %min3A_41 = arith.minimumf %min3A_38, %sub3A_40 : vector<16xf32>
    %broadcast_in_dim3A_42 = arith.constant -1.000000e+00 : f32
    %broadcast_in_dim3A_43 = vector.broadcast %broadcast_in_dim3A_42 : f32 to vector<16xf32>
    %swap3A_44 = arith.constant 0 : index
    %swap3A_45 = tpu.vector_load %arg6[%swap3A_44] {strides = array<i32>} : memref<16xf32, #tpu.memory_space<vmem>>, vector<16xf32>,
    tpu.vector_store %arg6[%swap3A_44], %scan3A_18#0 {strides = array<i32>} : memref<16xf32, #tpu.memory_space<vmem>>, vector<16xf32>,
    %gather3A_46 = tpu.vector_load_idx %arg6[%xor3A_3] : memref<16xf32, #tpu.memory_space<vmem>>[vector<16xi32>], vector<16xf32>,
    %max3A = arith.maximumf %scan3A_18#0, %gather3A_46 : vector<16xf32>
    %swap3A_47 = arith.constant 0 : index
    %swap3A_48 = tpu.vector_load %arg6[%swap3A_47] {strides = array<i32>} : memref<16xf32, #tpu.memory_space<vmem>>, vector<16xf32>,
    tpu.vector_store %arg6[%swap3A_47], %max3A {strides = array<i32>} : memref<16xf32, #tpu.memory_space<vmem>>, vector<16xf32>,
    %gather3A_49 = tpu.vector_load_idx %arg6[%xor3A_6] : memref<16xf32, #tpu.memory_space<vmem>>[vector<16xi32>], vector<16xf32>,
    %max3A_50 = arith.maximumf %max3A, %gather3A_49 : vector<16xf32>
    %swap3A_51 = arith.constant 0 : index
    %swap3A_52 = tpu.vector_load %arg6[%swap3A_51] {strides = array<i32>} : memref<16xf32, #tpu.memory_space<vmem>>, vector<16xf32>,
    tpu.vector_store %arg6[%swap3A_51], %max3A_50 {strides = array<i32>} : memref<16xf32, #tpu.memory_space<vmem>>, vector<16xf32>,
    %gather3A_53 = tpu.vector_load_idx %arg6[%xor3A_9] : memref<16xf32, #tpu.memory_space<vmem>>[vector<16xi32>], vector<16xf32>,
    %max3A_54 = arith.maximumf %max3A_50, %gather3A_53 : vector<16xf32>
    %swap3A_55 = arith.constant 0 : index
    %swap3A_56 = tpu.vector_load %arg6[%swap3A_55] {strides = array<i32>} : memref<16xf32, #tpu.memory_space<vmem>>, vector<16xf32>,
    tpu.vector_store %arg6[%swap3A_55], %max3A_54 {strides = array<i32>} : memref<16xf32, #tpu.memory_space<vmem>>, vector<16xf32>,
    %gather3A_57 = tpu.vector_load_idx %arg6[%xor3A_12] : memref<16xf32, #tpu.memory_space<vmem>>[vector<16xi32>], vector<16xf32>,
    %max3A_58 = arith.maximumf %max3A_54, %gather3A_57 : vector<16xf32>
    %add3A_59 = arith.constant 1.000000e+00 : f32
    %add3A_60 = vector.broadcast %add3A_59 : f32 to vector<16xf32>
    %add3A_61 = arith.addf %max3A_58, %add3A_60 : vector<16xf32>
    %scan3A_62 = arith.constant 0 : i32
    %scan3A_63 = arith.constant 24 : i32
    %scan3A_64 = arith.addi %scan3A_62, %scan3A_63 : i32
    %scan3A_65 = arith.constant 1 : i32
    %scan3A_66:2 = scf.for %scan3A_118 = %scan3A_62 to %scan3A_64 step %scan3A_65 iter_args(%scan3A_119 = %broadcast_in_dim3A_43, %scan3A_120 = %add3A_61) -> (vector<16xf32>, vector<16xf32>)  : i32 {
      %add3A_121 = arith.addf %scan3A_119, %scan3A_120 : vector<16xf32>
      %mul3A_122 = arith.constant 5.000000e-01 : f32
      %mul3A_123 = vector.broadcast %mul3A_122 : f32 to vector<16xf32>
      %mul3A_124 = arith.mulf %mul3A_123, %add3A_121 : vector<16xf32>
      %scan3A_125 = arith.constant 0 : i32
      %scan3A_126 = arith.constant 78 : i32
      %scan3A_127 = arith.addi %scan3A_125, %scan3A_126 : i32
      %scan3A_128 = arith.constant 1 : i32
      %scan3A_129 = scf.for %scan3A_149 = %scan3A_125 to %scan3A_127 step %scan3A_128 iter_args(%scan3A_150 = %broadcast_in_dim3A_1) -> (vector<16xf32>)  : i32 {
        %mul3A_151 = arith.constant 112 : i32
        %mul3A_152 = arith.muli %scan3A_149, %mul3A_151 : i32
        %add3A_153 = arith.constant 0 : i32
        %add3A_154 = arith.addi %mul3A_152, %add3A_153 : i32
        %get3A = arith.index_cast %add3A_154 : i32 to index
        %get3A_155 = tpu.vector_load %arg4[%get3A] {strides = array<i32>} : memref<8736xf32, #tpu.memory_space<vmem>>, vector<16xf32>,
        %gt3A = arith.cmpf ogt, %get3A_155, %mul3A_124 : vector<16xf32>
        %jit3A_156 = arith.constant 1.000000e+00 : f32
        %jit3A_157 = arith.constant 0.000000e+00 : f32
        %broadcast_in_dim3A_158 = vector.broadcast %jit3A_156 : f32 to vector<16xf32>
        %broadcast_in_dim3A_159 = vector.broadcast %jit3A_157 : f32 to vector<16xf32>
        %select_n3A_160 = arith.select %gt3A, %broadcast_in_dim3A_158, %broadcast_in_dim3A_159 : vector<16xi1>, vector<16xf32>
        %add3A_161 = arith.addf %scan3A_150, %select_n3A_160 : vector<16xf32>
        %mul3A_162 = arith.constant 112 : i32
        %mul3A_163 = arith.muli %scan3A_149, %mul3A_162 : i32
        %add3A_164 = arith.constant 16 : i32
        %add3A_165 = arith.addi %mul3A_163, %add3A_164 : i32
        %get3A_166 = arith.index_cast %add3A_165 : i32 to index
        %get3A_167 = tpu.vector_load %arg4[%get3A_166] {strides = array<i32>} : memref<8736xf32, #tpu.memory_space<vmem>>, vector<16xf32>,
        %gt3A_168 = arith.cmpf ogt, %get3A_167, %mul3A_124 : vector<16xf32>
        %jit3A_169 = arith.constant 1.000000e+00 : f32
        %jit3A_170 = arith.constant 0.000000e+00 : f32
        %broadcast_in_dim3A_171 = vector.broadcast %jit3A_169 : f32 to vector<16xf32>
        %broadcast_in_dim3A_172 = vector.broadcast %jit3A_170 : f32 to vector<16xf32>
        %select_n3A_173 = arith.select %gt3A_168, %broadcast_in_dim3A_171, %broadcast_in_dim3A_172 : vector<16xi1>, vector<16xf32>
        %add3A_174 = arith.addf %add3A_161, %select_n3A_173 : vector<16xf32>
        %mul3A_175 = arith.constant 112 : i32
        %mul3A_176 = arith.muli %scan3A_149, %mul3A_175 : i32
        %add3A_177 = arith.constant 32 : i32
        %add3A_178 = arith.addi %mul3A_176, %add3A_177 : i32
        %get3A_179 = arith.index_cast %add3A_178 : i32 to index
        %get3A_180 = tpu.vector_load %arg4[%get3A_179] {strides = array<i32>} : memref<8736xf32, #tpu.memory_space<vmem>>, vector<16xf32>,
        %gt3A_181 = arith.cmpf ogt, %get3A_180, %mul3A_124 : vector<16xf32>
        %jit3A_182 = arith.constant 1.000000e+00 : f32
        %jit3A_183 = arith.constant 0.000000e+00 : f32
        %broadcast_in_dim3A_184 = vector.broadcast %jit3A_182 : f32 to vector<16xf32>
        %broadcast_in_dim3A_185 = vector.broadcast %jit3A_183 : f32 to vector<16xf32>
        %select_n3A_186 = arith.select %gt3A_181, %broadcast_in_dim3A_184, %broadcast_in_dim3A_185 : vector<16xi1>, vector<16xf32>
        %add3A_187 = arith.addf %add3A_174, %select_n3A_186 : vector<16xf32>
        %mul3A_188 = arith.constant 112 : i32
        %mul3A_189 = arith.muli %scan3A_149, %mul3A_188 : i32
        %add3A_190 = arith.constant 48 : i32
        %add3A_191 = arith.addi %mul3A_189, %add3A_190 : i32
        %get3A_192 = arith.index_cast %add3A_191 : i32 to index
        %get3A_193 = tpu.vector_load %arg4[%get3A_192] {strides = array<i32>} : memref<8736xf32, #tpu.memory_space<vmem>>, vector<16xf32>,
        %gt3A_194 = arith.cmpf ogt, %get3A_193, %mul3A_124 : vector<16xf32>
        %jit3A_195 = arith.constant 1.000000e+00 : f32
        %jit3A_196 = arith.constant 0.000000e+00 : f32
        %broadcast_in_dim3A_197 = vector.broadcast %jit3A_195 : f32 to vector<16xf32>
        %broadcast_in_dim3A_198 = vector.broadcast %jit3A_196 : f32 to vector<16xf32>
        %select_n3A_199 = arith.select %gt3A_194, %broadcast_in_dim3A_197, %broadcast_in_dim3A_198 : vector<16xi1>, vector<16xf32>
        %add3A_200 = arith.addf %add3A_187, %select_n3A_199 : vector<16xf32>
        %mul3A_201 = arith.constant 112 : i32
        %mul3A_202 = arith.muli %scan3A_149, %mul3A_201 : i32
        %add3A_203 = arith.constant 64 : i32
        %add3A_204 = arith.addi %mul3A_202, %add3A_203 : i32
        %get3A_205 = arith.index_cast %add3A_204 : i32 to index
        %get3A_206 = tpu.vector_load %arg4[%get3A_205] {strides = array<i32>} : memref<8736xf32, #tpu.memory_space<vmem>>, vector<16xf32>,
        %gt3A_207 = arith.cmpf ogt, %get3A_206, %mul3A_124 : vector<16xf32>
        %jit3A_208 = arith.constant 1.000000e+00 : f32
        %jit3A_209 = arith.constant 0.000000e+00 : f32
        %broadcast_in_dim3A_210 = vector.broadcast %jit3A_208 : f32 to vector<16xf32>
        %broadcast_in_dim3A_211 = vector.broadcast %jit3A_209 : f32 to vector<16xf32>
        %select_n3A_212 = arith.select %gt3A_207, %broadcast_in_dim3A_210, %broadcast_in_dim3A_211 : vector<16xi1>, vector<16xf32>
        %add3A_213 = arith.addf %add3A_200, %select_n3A_212 : vector<16xf32>
        %mul3A_214 = arith.constant 112 : i32
        %mul3A_215 = arith.muli %scan3A_149, %mul3A_214 : i32
        %add3A_216 = arith.constant 80 : i32
        %add3A_217 = arith.addi %mul3A_215, %add3A_216 : i32
        %get3A_218 = arith.index_cast %add3A_217 : i32 to index
        %get3A_219 = tpu.vector_load %arg4[%get3A_218] {strides = array<i32>} : memref<8736xf32, #tpu.memory_space<vmem>>, vector<16xf32>,
        %gt3A_220 = arith.cmpf ogt, %get3A_219, %mul3A_124 : vector<16xf32>
        %jit3A_221 = arith.constant 1.000000e+00 : f32
        %jit3A_222 = arith.constant 0.000000e+00 : f32
        %broadcast_in_dim3A_223 = vector.broadcast %jit3A_221 : f32 to vector<16xf32>
        %broadcast_in_dim3A_224 = vector.broadcast %jit3A_222 : f32 to vector<16xf32>
        %select_n3A_225 = arith.select %gt3A_220, %broadcast_in_dim3A_223, %broadcast_in_dim3A_224 : vector<16xi1>, vector<16xf32>
        %add3A_226 = arith.addf %add3A_213, %select_n3A_225 : vector<16xf32>
        %mul3A_227 = arith.constant 112 : i32
        %mul3A_228 = arith.muli %scan3A_149, %mul3A_227 : i32
        %add3A_229 = arith.constant 96 : i32
        %add3A_230 = arith.addi %mul3A_228, %add3A_229 : i32
        %get3A_231 = arith.index_cast %add3A_230 : i32 to index
        %get3A_232 = tpu.vector_load %arg4[%get3A_231] {strides = array<i32>} : memref<8736xf32, #tpu.memory_space<vmem>>, vector<16xf32>,
        %gt3A_233 = arith.cmpf ogt, %get3A_232, %mul3A_124 : vector<16xf32>
        %jit3A_234 = arith.constant 1.000000e+00 : f32
        %jit3A_235 = arith.constant 0.000000e+00 : f32
        %broadcast_in_dim3A_236 = vector.broadcast %jit3A_234 : f32 to vector<16xf32>
        %broadcast_in_dim3A_237 = vector.broadcast %jit3A_235 : f32 to vector<16xf32>
        %select_n3A_238 = arith.select %gt3A_233, %broadcast_in_dim3A_236, %broadcast_in_dim3A_237 : vector<16xi1>, vector<16xf32>
        %add3A_239 = arith.addf %add3A_226, %select_n3A_238 : vector<16xf32>
        scf.yield %add3A_239 : vector<16xf32>
      }
      %scan3A_130 = arith.constant 78 : i32
      %swap3A_131 = arith.constant 0 : index
      %swap3A_132 = tpu.vector_load %arg6[%swap3A_131] {strides = array<i32>} : memref<16xf32, #tpu.memory_space<vmem>>, vector<16xf32>,
      tpu.vector_store %arg6[%swap3A_131], %scan3A_129 {strides = array<i32>} : memref<16xf32, #tpu.memory_space<vmem>>, vector<16xf32>,
      %gather3A_133 = tpu.vector_load_idx %arg6[%xor3A_3] : memref<16xf32, #tpu.memory_space<vmem>>[vector<16xi32>], vector<16xf32>,
      %add3A_134 = arith.addf %scan3A_129, %gather3A_133 : vector<16xf32>
      %swap3A_135 = arith.constant 0 : index
      %swap3A_136 = tpu.vector_load %arg6[%swap3A_135] {strides = array<i32>} : memref<16xf32, #tpu.memory_space<vmem>>, vector<16xf32>,
      tpu.vector_store %arg6[%swap3A_135], %add3A_134 {strides = array<i32>} : memref<16xf32, #tpu.memory_space<vmem>>, vector<16xf32>,
      %gather3A_137 = tpu.vector_load_idx %arg6[%xor3A_6] : memref<16xf32, #tpu.memory_space<vmem>>[vector<16xi32>], vector<16xf32>,
      %add3A_138 = arith.addf %add3A_134, %gather3A_137 : vector<16xf32>
      %swap3A_139 = arith.constant 0 : index
      %swap3A_140 = tpu.vector_load %arg6[%swap3A_139] {strides = array<i32>} : memref<16xf32, #tpu.memory_space<vmem>>, vector<16xf32>,
      tpu.vector_store %arg6[%swap3A_139], %add3A_138 {strides = array<i32>} : memref<16xf32, #tpu.memory_space<vmem>>, vector<16xf32>,
      %gather3A_141 = tpu.vector_load_idx %arg6[%xor3A_9] : memref<16xf32, #tpu.memory_space<vmem>>[vector<16xi32>], vector<16xf32>,
      %add3A_142 = arith.addf %add3A_138, %gather3A_141 : vector<16xf32>
      %swap3A_143 = arith.constant 0 : index
      %swap3A_144 = tpu.vector_load %arg6[%swap3A_143] {strides = array<i32>} : memref<16xf32, #tpu.memory_space<vmem>>, vector<16xf32>,
      tpu.vector_store %arg6[%swap3A_143], %add3A_142 {strides = array<i32>} : memref<16xf32, #tpu.memory_space<vmem>>, vector<16xf32>,
      %gather3A_145 = tpu.vector_load_idx %arg6[%xor3A_12] : memref<16xf32, #tpu.memory_space<vmem>>[vector<16xi32>], vector<16xf32>,
      %add3A_146 = arith.addf %add3A_142, %gather3A_145 : vector<16xf32>
      %ge3A = arith.cmpf oge, %add3A_146, %min3A_41 : vector<16xf32>
      %select_n3A_147 = arith.select %ge3A, %mul3A_124, %scan3A_119 : vector<16xi1>, vector<16xf32>
      %select_n3A_148 = arith.select %ge3A, %scan3A_120, %mul3A_124 : vector<16xi1>, vector<16xf32>
      scf.yield %select_n3A_147, %select_n3A_148 : vector<16xf32>, vector<16xf32>
    }
    %scan3A_67 = arith.constant 24 : i32
    %scan3A_68 = arith.constant 0 : i32
    %scan3A_69 = arith.constant 78 : i32
    %scan3A_70 = arith.addi %scan3A_68, %scan3A_69 : i32
    %scan3A_71 = arith.constant 1 : i32
    %scan3A_72:2 = scf.for %scan3A_118 = %scan3A_68 to %scan3A_70 step %scan3A_71 iter_args(%scan3A_119 = %broadcast_in_dim3A_1, %scan3A_120 = %broadcast_in_dim3A_1) -> (vector<16xf32>, vector<16xf32>)  : i32 {
      %mul3A_121 = arith.constant 112 : i32
      %mul3A_122 = arith.muli %scan3A_118, %mul3A_121 : i32
      %add3A_123 = arith.constant 0 : i32
      %add3A_124 = arith.addi %mul3A_122, %add3A_123 : i32
      %get3A = arith.index_cast %add3A_124 : i32 to index
      %get3A_125 = tpu.vector_load %arg4[%get3A] {strides = array<i32>} : memref<8736xf32, #tpu.memory_space<vmem>>, vector<16xf32>,
      %gt3A = arith.cmpf ogt, %get3A_125, %scan3A_66#1 : vector<16xf32>
      %jit3A_126 = arith.constant 1.000000e+00 : f32
      %jit3A_127 = arith.constant 0.000000e+00 : f32
      %broadcast_in_dim3A_128 = vector.broadcast %jit3A_126 : f32 to vector<16xf32>
      %broadcast_in_dim3A_129 = vector.broadcast %jit3A_127 : f32 to vector<16xf32>
      %select_n3A_130 = arith.select %gt3A, %broadcast_in_dim3A_128, %broadcast_in_dim3A_129 : vector<16xi1>, vector<16xf32>
      %add3A_131 = arith.addf %scan3A_119, %select_n3A_130 : vector<16xf32>
      %jit3A_132 = arith.constant 0.000000e+00 : f32
      %broadcast_in_dim3A_133 = vector.broadcast %jit3A_132 : f32 to vector<16xf32>
      %select_n3A_134 = arith.select %gt3A, %get3A_125, %broadcast_in_dim3A_133 : vector<16xi1>, vector<16xf32>
      %add3A_135 = arith.addf %scan3A_120, %select_n3A_134 : vector<16xf32>
      %mul3A_136 = arith.constant 112 : i32
      %mul3A_137 = arith.muli %scan3A_118, %mul3A_136 : i32
      %add3A_138 = arith.constant 16 : i32
      %add3A_139 = arith.addi %mul3A_137, %add3A_138 : i32
      %get3A_140 = arith.index_cast %add3A_139 : i32 to index
      %get3A_141 = tpu.vector_load %arg4[%get3A_140] {strides = array<i32>} : memref<8736xf32, #tpu.memory_space<vmem>>, vector<16xf32>,
      %gt3A_142 = arith.cmpf ogt, %get3A_141, %scan3A_66#1 : vector<16xf32>
      %jit3A_143 = arith.constant 1.000000e+00 : f32
      %jit3A_144 = arith.constant 0.000000e+00 : f32
      %broadcast_in_dim3A_145 = vector.broadcast %jit3A_143 : f32 to vector<16xf32>
      %broadcast_in_dim3A_146 = vector.broadcast %jit3A_144 : f32 to vector<16xf32>
      %select_n3A_147 = arith.select %gt3A_142, %broadcast_in_dim3A_145, %broadcast_in_dim3A_146 : vector<16xi1>, vector<16xf32>
      %add3A_148 = arith.addf %add3A_131, %select_n3A_147 : vector<16xf32>
      %jit3A_149 = arith.constant 0.000000e+00 : f32
      %broadcast_in_dim3A_150 = vector.broadcast %jit3A_149 : f32 to vector<16xf32>
      %select_n3A_151 = arith.select %gt3A_142, %get3A_141, %broadcast_in_dim3A_150 : vector<16xi1>, vector<16xf32>
      %add3A_152 = arith.addf %add3A_135, %select_n3A_151 : vector<16xf32>
      %mul3A_153 = arith.constant 112 : i32
      %mul3A_154 = arith.muli %scan3A_118, %mul3A_153 : i32
      %add3A_155 = arith.constant 32 : i32
      %add3A_156 = arith.addi %mul3A_154, %add3A_155 : i32
      %get3A_157 = arith.index_cast %add3A_156 : i32 to index
      %get3A_158 = tpu.vector_load %arg4[%get3A_157] {strides = array<i32>} : memref<8736xf32, #tpu.memory_space<vmem>>, vector<16xf32>,
      %gt3A_159 = arith.cmpf ogt, %get3A_158, %scan3A_66#1 : vector<16xf32>
      %jit3A_160 = arith.constant 1.000000e+00 : f32
      %jit3A_161 = arith.constant 0.000000e+00 : f32
      %broadcast_in_dim3A_162 = vector.broadcast %jit3A_160 : f32 to vector<16xf32>
      %broadcast_in_dim3A_163 = vector.broadcast %jit3A_161 : f32 to vector<16xf32>
      %select_n3A_164 = arith.select %gt3A_159, %broadcast_in_dim3A_162, %broadcast_in_dim3A_163 : vector<16xi1>, vector<16xf32>
      %add3A_165 = arith.addf %add3A_148, %select_n3A_164 : vector<16xf32>
      %jit3A_166 = arith.constant 0.000000e+00 : f32
      %broadcast_in_dim3A_167 = vector.broadcast %jit3A_166 : f32 to vector<16xf32>
      %select_n3A_168 = arith.select %gt3A_159, %get3A_158, %broadcast_in_dim3A_167 : vector<16xi1>, vector<16xf32>
      %add3A_169 = arith.addf %add3A_152, %select_n3A_168 : vector<16xf32>
      %mul3A_170 = arith.constant 112 : i32
      %mul3A_171 = arith.muli %scan3A_118, %mul3A_170 : i32
      %add3A_172 = arith.constant 48 : i32
      %add3A_173 = arith.addi %mul3A_171, %add3A_172 : i32
      %get3A_174 = arith.index_cast %add3A_173 : i32 to index
      %get3A_175 = tpu.vector_load %arg4[%get3A_174] {strides = array<i32>} : memref<8736xf32, #tpu.memory_space<vmem>>, vector<16xf32>,
      %gt3A_176 = arith.cmpf ogt, %get3A_175, %scan3A_66#1 : vector<16xf32>
      %jit3A_177 = arith.constant 1.000000e+00 : f32
      %jit3A_178 = arith.constant 0.000000e+00 : f32
      %broadcast_in_dim3A_179 = vector.broadcast %jit3A_177 : f32 to vector<16xf32>
      %broadcast_in_dim3A_180 = vector.broadcast %jit3A_178 : f32 to vector<16xf32>
      %select_n3A_181 = arith.select %gt3A_176, %broadcast_in_dim3A_179, %broadcast_in_dim3A_180 : vector<16xi1>, vector<16xf32>
      %add3A_182 = arith.addf %add3A_165, %select_n3A_181 : vector<16xf32>
      %jit3A_183 = arith.constant 0.000000e+00 : f32
      %broadcast_in_dim3A_184 = vector.broadcast %jit3A_183 : f32 to vector<16xf32>
      %select_n3A_185 = arith.select %gt3A_176, %get3A_175, %broadcast_in_dim3A_184 : vector<16xi1>, vector<16xf32>
      %add3A_186 = arith.addf %add3A_169, %select_n3A_185 : vector<16xf32>
      %mul3A_187 = arith.constant 112 : i32
      %mul3A_188 = arith.muli %scan3A_118, %mul3A_187 : i32
      %add3A_189 = arith.constant 64 : i32
      %add3A_190 = arith.addi %mul3A_188, %add3A_189 : i32
      %get3A_191 = arith.index_cast %add3A_190 : i32 to index
      %get3A_192 = tpu.vector_load %arg4[%get3A_191] {strides = array<i32>} : memref<8736xf32, #tpu.memory_space<vmem>>, vector<16xf32>,
      %gt3A_193 = arith.cmpf ogt, %get3A_192, %scan3A_66#1 : vector<16xf32>
      %jit3A_194 = arith.constant 1.000000e+00 : f32
      %jit3A_195 = arith.constant 0.000000e+00 : f32
      %broadcast_in_dim3A_196 = vector.broadcast %jit3A_194 : f32 to vector<16xf32>
      %broadcast_in_dim3A_197 = vector.broadcast %jit3A_195 : f32 to vector<16xf32>
      %select_n3A_198 = arith.select %gt3A_193, %broadcast_in_dim3A_196, %broadcast_in_dim3A_197 : vector<16xi1>, vector<16xf32>
      %add3A_199 = arith.addf %add3A_182, %select_n3A_198 : vector<16xf32>
      %jit3A_200 = arith.constant 0.000000e+00 : f32
      %broadcast_in_dim3A_201 = vector.broadcast %jit3A_200 : f32 to vector<16xf32>
      %select_n3A_202 = arith.select %gt3A_193, %get3A_192, %broadcast_in_dim3A_201 : vector<16xi1>, vector<16xf32>
      %add3A_203 = arith.addf %add3A_186, %select_n3A_202 : vector<16xf32>
      %mul3A_204 = arith.constant 112 : i32
      %mul3A_205 = arith.muli %scan3A_118, %mul3A_204 : i32
      %add3A_206 = arith.constant 80 : i32
      %add3A_207 = arith.addi %mul3A_205, %add3A_206 : i32
      %get3A_208 = arith.index_cast %add3A_207 : i32 to index
      %get3A_209 = tpu.vector_load %arg4[%get3A_208] {strides = array<i32>} : memref<8736xf32, #tpu.memory_space<vmem>>, vector<16xf32>,
      %gt3A_210 = arith.cmpf ogt, %get3A_209, %scan3A_66#1 : vector<16xf32>
      %jit3A_211 = arith.constant 1.000000e+00 : f32
      %jit3A_212 = arith.constant 0.000000e+00 : f32
      %broadcast_in_dim3A_213 = vector.broadcast %jit3A_211 : f32 to vector<16xf32>
      %broadcast_in_dim3A_214 = vector.broadcast %jit3A_212 : f32 to vector<16xf32>
      %select_n3A_215 = arith.select %gt3A_210, %broadcast_in_dim3A_213, %broadcast_in_dim3A_214 : vector<16xi1>, vector<16xf32>
      %add3A_216 = arith.addf %add3A_199, %select_n3A_215 : vector<16xf32>
      %jit3A_217 = arith.constant 0.000000e+00 : f32
      %broadcast_in_dim3A_218 = vector.broadcast %jit3A_217 : f32 to vector<16xf32>
      %select_n3A_219 = arith.select %gt3A_210, %get3A_209, %broadcast_in_dim3A_218 : vector<16xi1>, vector<16xf32>
      %add3A_220 = arith.addf %add3A_203, %select_n3A_219 : vector<16xf32>
      %mul3A_221 = arith.constant 112 : i32
      %mul3A_222 = arith.muli %scan3A_118, %mul3A_221 : i32
      %add3A_223 = arith.constant 96 : i32
      %add3A_224 = arith.addi %mul3A_222, %add3A_223 : i32
      %get3A_225 = arith.index_cast %add3A_224 : i32 to index
      %get3A_226 = tpu.vector_load %arg4[%get3A_225] {strides = array<i32>} : memref<8736xf32, #tpu.memory_space<vmem>>, vector<16xf32>,
      %gt3A_227 = arith.cmpf ogt, %get3A_226, %scan3A_66#1 : vector<16xf32>
      %jit3A_228 = arith.constant 1.000000e+00 : f32
      %jit3A_229 = arith.constant 0.000000e+00 : f32
      %broadcast_in_dim3A_230 = vector.broadcast %jit3A_228 : f32 to vector<16xf32>
      %broadcast_in_dim3A_231 = vector.broadcast %jit3A_229 : f32 to vector<16xf32>
      %select_n3A_232 = arith.select %gt3A_227, %broadcast_in_dim3A_230, %broadcast_in_dim3A_231 : vector<16xi1>, vector<16xf32>
      %add3A_233 = arith.addf %add3A_216, %select_n3A_232 : vector<16xf32>
      %jit3A_234 = arith.constant 0.000000e+00 : f32
      %broadcast_in_dim3A_235 = vector.broadcast %jit3A_234 : f32 to vector<16xf32>
      %select_n3A_236 = arith.select %gt3A_227, %get3A_226, %broadcast_in_dim3A_235 : vector<16xi1>, vector<16xf32>
      %add3A_237 = arith.addf %add3A_220, %select_n3A_236 : vector<16xf32>
      scf.yield %add3A_233, %add3A_237 : vector<16xf32>, vector<16xf32>
    }
    %scan3A_73 = arith.constant 78 : i32
    %swap3A_74 = arith.constant 0 : index
    %swap3A_75 = tpu.vector_load %arg6[%swap3A_74] {strides = array<i32>} : memref<16xf32, #tpu.memory_space<vmem>>, vector<16xf32>,
    tpu.vector_store %arg6[%swap3A_74], %scan3A_72#1 {strides = array<i32>} : memref<16xf32, #tpu.memory_space<vmem>>, vector<16xf32>,
    %gather3A_76 = tpu.vector_load_idx %arg6[%xor3A_3] : memref<16xf32, #tpu.memory_space<vmem>>[vector<16xi32>], vector<16xf32>,
    %add3A_77 = arith.addf %scan3A_72#1, %gather3A_76 : vector<16xf32>
    %swap3A_78 = arith.constant 0 : index
    %swap3A_79 = tpu.vector_load %arg6[%swap3A_78] {strides = array<i32>} : memref<16xf32, #tpu.memory_space<vmem>>, vector<16xf32>,
    tpu.vector_store %arg6[%swap3A_78], %add3A_77 {strides = array<i32>} : memref<16xf32, #tpu.memory_space<vmem>>, vector<16xf32>,
    %gather3A_80 = tpu.vector_load_idx %arg6[%xor3A_6] : memref<16xf32, #tpu.memory_space<vmem>>[vector<16xi32>], vector<16xf32>,
    %add3A_81 = arith.addf %add3A_77, %gather3A_80 : vector<16xf32>
    %swap3A_82 = arith.constant 0 : index
    %swap3A_83 = tpu.vector_load %arg6[%swap3A_82] {strides = array<i32>} : memref<16xf32, #tpu.memory_space<vmem>>, vector<16xf32>,
    tpu.vector_store %arg6[%swap3A_82], %add3A_81 {strides = array<i32>} : memref<16xf32, #tpu.memory_space<vmem>>, vector<16xf32>,
    %gather3A_84 = tpu.vector_load_idx %arg6[%xor3A_9] : memref<16xf32, #tpu.memory_space<vmem>>[vector<16xi32>], vector<16xf32>,
    %add3A_85 = arith.addf %add3A_81, %gather3A_84 : vector<16xf32>
    %swap3A_86 = arith.constant 0 : index
    %swap3A_87 = tpu.vector_load %arg6[%swap3A_86] {strides = array<i32>} : memref<16xf32, #tpu.memory_space<vmem>>, vector<16xf32>,
    tpu.vector_store %arg6[%swap3A_86], %add3A_85 {strides = array<i32>} : memref<16xf32, #tpu.memory_space<vmem>>, vector<16xf32>,
    %gather3A_88 = tpu.vector_load_idx %arg6[%xor3A_12] : memref<16xf32, #tpu.memory_space<vmem>>[vector<16xi32>], vector<16xf32>,
    %add3A_89 = arith.addf %add3A_85, %gather3A_88 : vector<16xf32>
    %swap3A_90 = arith.constant 0 : index
    %swap3A_91 = tpu.vector_load %arg6[%swap3A_90] {strides = array<i32>} : memref<16xf32, #tpu.memory_space<vmem>>, vector<16xf32>,
    tpu.vector_store %arg6[%swap3A_90], %scan3A_72#0 {strides = array<i32>} : memref<16xf32, #tpu.memory_space<vmem>>, vector<16xf32>,
    %gather3A_92 = tpu.vector_load_idx %arg6[%xor3A_3] : memref<16xf32, #tpu.memory_space<vmem>>[vector<16xi32>], vector<16xf32>,
    %add3A_93 = arith.addf %scan3A_72#0, %gather3A_92 : vector<16xf32>
    %swap3A_94 = arith.constant 0 : index
    %swap3A_95 = tpu.vector_load %arg6[%swap3A_94] {strides = array<i32>} : memref<16xf32, #tpu.memory_space<vmem>>, vector<16xf32>,
    tpu.vector_store %arg6[%swap3A_94], %add3A_93 {strides = array<i32>} : memref<16xf32, #tpu.memory_space<vmem>>, vector<16xf32>,
    %gather3A_96 = tpu.vector_load_idx %arg6[%xor3A_6] : memref<16xf32, #tpu.memory_space<vmem>>[vector<16xi32>], vector<16xf32>,
    %add3A_97 = arith.addf %add3A_93, %gather3A_96 : vector<16xf32>
    %swap3A_98 = arith.constant 0 : index
    %swap3A_99 = tpu.vector_load %arg6[%swap3A_98] {strides = array<i32>} : memref<16xf32, #tpu.memory_space<vmem>>, vector<16xf32>,
    tpu.vector_store %arg6[%swap3A_98], %add3A_97 {strides = array<i32>} : memref<16xf32, #tpu.memory_space<vmem>>, vector<16xf32>,
    %gather3A_100 = tpu.vector_load_idx %arg6[%xor3A_9] : memref<16xf32, #tpu.memory_space<vmem>>[vector<16xi32>], vector<16xf32>,
    %add3A_101 = arith.addf %add3A_97, %gather3A_100 : vector<16xf32>
    %swap3A_102 = arith.constant 0 : index
    %swap3A_103 = tpu.vector_load %arg6[%swap3A_102] {strides = array<i32>} : memref<16xf32, #tpu.memory_space<vmem>>, vector<16xf32>,
    tpu.vector_store %arg6[%swap3A_102], %add3A_101 {strides = array<i32>} : memref<16xf32, #tpu.memory_space<vmem>>, vector<16xf32>,
    %gather3A_104 = tpu.vector_load_idx %arg6[%xor3A_12] : memref<16xf32, #tpu.memory_space<vmem>>[vector<16xi32>], vector<16xf32>,
    %add3A_105 = arith.addf %add3A_101, %gather3A_104 : vector<16xf32>
    %sub3A_106 = arith.subf %min3A_41, %add3A_105 : vector<16xf32>
    %mul3A_107 = arith.mulf %sub3A_106, %scan3A_66#1 : vector<16xf32>
    %add3A_108 = arith.addf %add3A_89, %mul3A_107 : vector<16xf32>
    %eq3A = arith.constant 0 : i32
    %eq3A_109 = vector.broadcast %eq3A : i32 to vector<16xi32>
    %eq3A_110 = arith.cmpi eq, %iota3A, %eq3A_109 : vector<16xi32>
    %eq3A_111 = arith.constant 1 : i32
    %eq3A_112 = vector.broadcast %eq3A_111 : i32 to vector<16xi32>
    %eq3A_113 = arith.cmpi eq, %iota3A, %eq3A_112 : vector<16xi32>
    %jit3A = arith.constant 0.000000e+00 : f32
    %broadcast_in_dim3A_114 = vector.broadcast %jit3A : f32 to vector<16xf32>
    %select_n3A = arith.select %eq3A_113, %add3A_33, %broadcast_in_dim3A_114 : vector<16xi1>, vector<16xf32>
    %select_n3A_115 = arith.select %eq3A_110, %add3A_108, %select_n3A : vector<16xi1>, vector<16xf32>
    %swap3A_116 = arith.constant 0 : index
    %swap3A_117 = tpu.vector_load %arg5[%swap3A_116] {strides = array<i32>} : memref<16xf32, #tpu.memory_space<vmem>>, vector<16xf32>,
    tpu.vector_store %arg5[%swap3A_116], %select_n3A_115 {strides = array<i32>} : memref<16xf32, #tpu.memory_space<vmem>>, vector<16xf32>,
    "tpu.region"() ({
      %run_scoped3A = tpu.sem_alloc : memref<!tpu.dma_semaphore, #tpu.memory_space<semaphore_mem>>
      %dma_start3A = arith.constant 0 : i32
      %dma_start3A_118 = tpu.memref_slice %arg3[%add3A, %dma_start3A] : memref<32x16xf32, #tpu.memory_space<hbm>> -> memref<1x16xf32, #tpu.memory_space<hbm>>
      %dma_start3A_119 = tpu.memref_squeeze %dma_start3A_118 : memref<1x16xf32, #tpu.memory_space<hbm>> -> memref<16xf32, #tpu.memory_space<hbm>>
      %dma_start3A_120 = arith.constant 0 : i32
      %dma_start3A_121 = tpu.memref_slice %arg3[%add3A, %dma_start3A_120] : memref<32x16xf32, #tpu.memory_space<hbm>> -> memref<1x16xf32, #tpu.memory_space<hbm>>
      %dma_start3A_122 = tpu.memref_squeeze %dma_start3A_121 : memref<1x16xf32, #tpu.memory_space<hbm>> -> memref<16xf32, #tpu.memory_space<hbm>>
      tpu.enqueue_dma source(%arg5 : memref<16xf32, #tpu.memory_space<vmem>>) target(%dma_start3A_122 : memref<16xf32, #tpu.memory_space<hbm>>) target_semaphore(%run_scoped3A : memref<!tpu.dma_semaphore, #tpu.memory_space<semaphore_mem>>)
      %dma_wait3A = arith.constant 0 : i32
      %dma_wait3A_123 = tpu.memref_slice %arg3[%add3A, %dma_wait3A] : memref<32x16xf32, #tpu.memory_space<hbm>> -> memref<1x16xf32, #tpu.memory_space<hbm>>
      %dma_wait3A_124 = tpu.memref_squeeze %dma_wait3A_123 : memref<1x16xf32, #tpu.memory_space<hbm>> -> memref<16xf32, #tpu.memory_space<hbm>>
      %dma_wait3A_125 = arith.constant 0 : i32
      %dma_wait3A_126 = tpu.memref_slice %arg3[%add3A, %dma_wait3A_125] : memref<32x16xf32, #tpu.memory_space<hbm>> -> memref<1x16xf32, #tpu.memory_space<hbm>>
      %dma_wait3A_127 = tpu.memref_squeeze %dma_wait3A_126 : memref<1x16xf32, #tpu.memory_space<hbm>> -> memref<16xf32, #tpu.memory_space<hbm>>
      tpu.wait_dma2 semaphore(%run_scoped3A : memref<!tpu.dma_semaphore, #tpu.memory_space<semaphore_mem>>) src(%arg5 : memref<16xf32, #tpu.memory_space<vmem>>) dst(%dma_wait3A_127 : memref<16xf32, #tpu.memory_space<hbm>>)
      tpu.yield
    }) : () -> ()
    return
  }
}

module attributes {stable_mosaic.version = 14 : i64} {
  func.func @_tc_body(%arg0: i32, %arg1: memref<1x4x8732xf32, #tpu.memory_space<vmem>>, %arg2: memref<1x21x8732xf32, #tpu.memory_space<vmem>>, %arg3: memref<11x8732xf32, #tpu.memory_space<vmem>>, %arg4: memref<1x12x5xf32, #tpu.memory_space<vmem>>, %arg5: memref<1x5x12xf32, #tpu.memory_space<vmem>>, %arg6: memref<1x1xf32, #tpu.memory_space<smem>>, %arg7: memref<1x1xf32, #tpu.memory_space<smem>>, %arg8: memref<1x1x8736xf32, #tpu.memory_space<vmem>>) attributes {dimension_semantics = [#tpu.dimension_semantics<arbitrary>], iteration_bounds = array<i64: 32>, scalar_prefetch = 0 : i64, scratch_operands = 0 : i64, tpu.core_type = #tpu.core_type<tc>, window_params = [{transform_indices = @transform_0, window_bounds = array<i64: 1, 4, 8732>}, {transform_indices = @transform_1, window_bounds = array<i64: 1, 21, 8732>}, {pipeline_mode = #tpu.pipeline_mode<synchronous>, transform_indices = @transform_2, window_bounds = array<i64: 11, 8732>}, {transform_indices = @transform_3, window_bounds = array<i64: 1, 12, 5>}, {transform_indices = @transform_4, window_bounds = array<i64: 1, 5, 12>}, {transform_indices = @transform_5, window_bounds = array<i64: 1, 1>}, {transform_indices = @transform_6, window_bounds = array<i64: 1, 1>}, {transform_indices = @transform_7, window_bounds = array<i64: 1, 1, 8736>}]} {
    %get3A = arith.constant 0 : index
    %get3A_0 = arith.constant 0 : index
    %get3A_1 = vector.load %arg3[%get3A, %get3A_0] : memref<11x8732xf32, #tpu.memory_space<vmem>>, vector<1x8732xf32>
    %get3A_2 = arith.constant 1 : index
    %get3A_3 = arith.constant 0 : index
    %get3A_4 = vector.load %arg3[%get3A_2, %get3A_3] : memref<11x8732xf32, #tpu.memory_space<vmem>>, vector<1x8732xf32>
    %get3A_5 = arith.constant 2 : index
    %get3A_6 = arith.constant 0 : index
    %get3A_7 = vector.load %arg3[%get3A_5, %get3A_6] : memref<11x8732xf32, #tpu.memory_space<vmem>>, vector<1x8732xf32>
    %get3A_8 = arith.constant 3 : index
    %get3A_9 = arith.constant 0 : index
    %get3A_10 = vector.load %arg3[%get3A_8, %get3A_9] : memref<11x8732xf32, #tpu.memory_space<vmem>>, vector<1x8732xf32>
    %get3A_11 = arith.constant 4 : index
    %get3A_12 = arith.constant 0 : index
    %get3A_13 = vector.load %arg3[%get3A_11, %get3A_12] : memref<11x8732xf32, #tpu.memory_space<vmem>>, vector<1x8732xf32>
    %get3A_14 = arith.constant 5 : index
    %get3A_15 = arith.constant 0 : index
    %get3A_16 = vector.load %arg3[%get3A_14, %get3A_15] : memref<11x8732xf32, #tpu.memory_space<vmem>>, vector<1x8732xf32>
    %get3A_17 = vector.shape_cast %get3A_16 : vector<1x8732xf32> to vector<8732xf32>
    %get3A_18 = arith.constant 6 : index
    %get3A_19 = arith.constant 0 : index
    %get3A_20 = vector.load %arg3[%get3A_18, %get3A_19] : memref<11x8732xf32, #tpu.memory_space<vmem>>, vector<1x8732xf32>
    %get3A_21 = vector.shape_cast %get3A_20 : vector<1x8732xf32> to vector<8732xf32>
    %get3A_22 = arith.constant 7 : index
    %get3A_23 = arith.constant 0 : index
    %get3A_24 = vector.load %arg3[%get3A_22, %get3A_23] : memref<11x8732xf32, #tpu.memory_space<vmem>>, vector<1x8732xf32>
    %get3A_25 = vector.shape_cast %get3A_24 : vector<1x8732xf32> to vector<8732xf32>
    %get3A_26 = arith.constant 8 : index
    %get3A_27 = arith.constant 0 : index
    %get3A_28 = vector.load %arg3[%get3A_26, %get3A_27] : memref<11x8732xf32, #tpu.memory_space<vmem>>, vector<1x8732xf32>
    %get3A_29 = vector.shape_cast %get3A_28 : vector<1x8732xf32> to vector<8732xf32>
    %get3A_30 = arith.constant 9 : index
    %get3A_31 = arith.constant 0 : index
    %get3A_32 = vector.load %arg3[%get3A_30, %get3A_31] : memref<11x8732xf32, #tpu.memory_space<vmem>>, vector<1x8732xf32>
    %get3A_33 = vector.shape_cast %get3A_32 : vector<1x8732xf32> to vector<8732xf32>
    %get3A_34 = arith.constant 10 : index
    %get3A_35 = arith.constant 0 : index
    %get3A_36 = vector.load %arg3[%get3A_34, %get3A_35] : memref<11x8732xf32, #tpu.memory_space<vmem>>, vector<1x8732xf32>
    %get3A_37 = vector.shape_cast %get3A_36 : vector<1x8732xf32> to vector<8732xf32>
    %get3A_38 = arith.constant 0 : index
    %get3A_39 = arith.constant 0 : index
    %get3A_40 = arith.constant 0 : index
    %get3A_41 = vector.load %arg4[%get3A_38, %get3A_39, %get3A_40] : memref<1x12x5xf32, #tpu.memory_space<vmem>>, vector<1x12x5xf32>
    %get3A_42 = vector.shape_cast %get3A_41 : vector<1x12x5xf32> to vector<12x5xf32>
    %slice3A = vector.extract_strided_slice %get3A_42 {offsets = [0, 0], sizes = [12, 1], strides = [1, 1]} : vector<12x5xf32> to vector<12x1xf32>
    %slice3A_43 = vector.extract_strided_slice %get3A_42 {offsets = [0, 1], sizes = [12, 1], strides = [1, 1]} : vector<12x5xf32> to vector<12x1xf32>
    %slice3A_44 = vector.extract_strided_slice %get3A_42 {offsets = [0, 2], sizes = [12, 1], strides = [1, 1]} : vector<12x5xf32> to vector<12x1xf32>
    %slice3A_45 = vector.extract_strided_slice %get3A_42 {offsets = [0, 3], sizes = [12, 1], strides = [1, 1]} : vector<12x5xf32> to vector<12x1xf32>
    %sub3A = arith.subf %slice3A_44, %slice3A : vector<12x1xf32>
    %sub3A_46 = arith.subf %slice3A_45, %slice3A_43 : vector<12x1xf32>
    %mul3A = arith.mulf %sub3A, %sub3A_46 : vector<12x1xf32>
    %min3A = vector.broadcast %get3A_7 : vector<1x8732xf32> to vector<12x8732xf32>
    %min3A_47 = vector.broadcast %slice3A_44 : vector<12x1xf32> to vector<12x8732xf32>
    %min3A_48 = arith.minimumf %min3A, %min3A_47 : vector<12x8732xf32>
    %max3A = vector.broadcast %get3A_1 : vector<1x8732xf32> to vector<12x8732xf32>
    %max3A_49 = vector.broadcast %slice3A : vector<12x1xf32> to vector<12x8732xf32>
    %max3A_50 = arith.maximumf %max3A, %max3A_49 : vector<12x8732xf32>
    %sub3A_51 = arith.subf %min3A_48, %max3A_50 : vector<12x8732xf32>
    %max3A_52 = arith.constant 0.000000e+00 : f32
    %max3A_53 = vector.broadcast %max3A_52 : f32 to vector<12x8732xf32>
    %max3A_54 = arith.maximumf %sub3A_51, %max3A_53 : vector<12x8732xf32>
    %min3A_55 = vector.broadcast %get3A_10 : vector<1x8732xf32> to vector<12x8732xf32>
    %min3A_56 = vector.broadcast %slice3A_45 : vector<12x1xf32> to vector<12x8732xf32>
    %min3A_57 = arith.minimumf %min3A_55, %min3A_56 : vector<12x8732xf32>
    %max3A_58 = vector.broadcast %get3A_4 : vector<1x8732xf32> to vector<12x8732xf32>
    %max3A_59 = vector.broadcast %slice3A_43 : vector<12x1xf32> to vector<12x8732xf32>
    %max3A_60 = arith.maximumf %max3A_58, %max3A_59 : vector<12x8732xf32>
    %sub3A_61 = arith.subf %min3A_57, %max3A_60 : vector<12x8732xf32>
    %max3A_62 = arith.constant 0.000000e+00 : f32
    %max3A_63 = vector.broadcast %max3A_62 : f32 to vector<12x8732xf32>
    %max3A_64 = arith.maximumf %sub3A_61, %max3A_63 : vector<12x8732xf32>
    %mul3A_65 = arith.mulf %max3A_54, %max3A_64 : vector<12x8732xf32>
    %add3A = vector.broadcast %get3A_13 : vector<1x8732xf32> to vector<12x8732xf32>
    %add3A_66 = vector.broadcast %mul3A : vector<12x1xf32> to vector<12x8732xf32>
    %add3A_67 = arith.addf %add3A, %add3A_66 : vector<12x8732xf32>
    %sub3A_68 = arith.subf %add3A_67, %mul3A_65 : vector<12x8732xf32>
    %div3A = arith.divf %mul3A_65, %sub3A_68 : vector<12x8732xf32>
    %iota3A = tpu.iota {dimensions = array<i32: 0>} : vector<12x8732xi32>
    %iota3A_69 = tpu.iota {dimensions = array<i32: 1>} : vector<12x8732xi32>
    %reduce_max3A = arith.constant dense<0xFF800000> : vector<8732xf32>
    %reduce_max3A_70 = vector.multi_reduction <maximumf>, %div3A, %reduce_max3A [0] : vector<12x8732xf32> to vector<8732xf32>
    %broadcast_in_dim3A = vector.shape_cast %reduce_max3A_70 : vector<8732xf32> to vector<1x8732xf32>
    %eq3A = vector.broadcast %broadcast_in_dim3A : vector<1x8732xf32> to vector<12x8732xf32>
    %eq3A_71 = arith.cmpf oeq, %div3A, %eq3A : vector<12x8732xf32>
    %jit3A = arith.constant 12 : i32
    %broadcast_in_dim3A_72 = vector.broadcast %jit3A : i32 to vector<12x8732xi32>
    %select_n3A = arith.select %eq3A_71, %iota3A, %broadcast_in_dim3A_72 : vector<12x8732xi1>, vector<12x8732xi32>
    %reduce_min3A = arith.constant dense<2147483647> : vector<8732xi32>
    %reduce_min3A_73 = vector.multi_reduction <minsi>, %select_n3A, %reduce_min3A [0] : vector<12x8732xi32> to vector<8732xi32>
    %reduce_max3A_74 = arith.constant dense<0xFF800000> : vector<12xf32>
    %reduce_max3A_75 = vector.multi_reduction <maximumf>, %div3A, %reduce_max3A_74 [1] : vector<12x8732xf32> to vector<12xf32>
    %broadcast_in_dim3A_76 = vector.shape_cast %reduce_max3A_75 : vector<12xf32> to vector<12x1xf32>
    %eq3A_77 = vector.broadcast %broadcast_in_dim3A_76 : vector<12x1xf32> to vector<12x8732xf32>
    %eq3A_78 = arith.cmpf oeq, %div3A, %eq3A_77 : vector<12x8732xf32>
    %jit3A_79 = arith.constant 8732 : i32
    %broadcast_in_dim3A_80 = vector.broadcast %jit3A_79 : i32 to vector<12x8732xi32>
    %select_n3A_81 = arith.select %eq3A_78, %iota3A_69, %broadcast_in_dim3A_80 : vector<12x8732xi1>, vector<12x8732xi32>
    %reduce_min3A_82 = arith.constant dense<2147483647> : vector<12xi32>
    %reduce_min3A_83 = vector.multi_reduction <minsi>, %select_n3A_81, %reduce_min3A_82 [1] : vector<12x8732xi32> to vector<12xi32>
    %broadcast_in_dim3A_84 = vector.shape_cast %reduce_min3A_83 : vector<12xi32> to vector<12x1xi32>
    %eq3A_85 = vector.broadcast %broadcast_in_dim3A_84 : vector<12x1xi32> to vector<12x8732xi32>
    %eq3A_86 = arith.cmpi eq, %iota3A_69, %eq3A_85 : vector<12x8732xi32>
    %jit3A_87 = arith.constant -1 : i32
    %broadcast_in_dim3A_88 = vector.broadcast %jit3A_87 : i32 to vector<12x8732xi32>
    %select_n3A_89 = arith.select %eq3A_86, %iota3A, %broadcast_in_dim3A_88 : vector<12x8732xi1>, vector<12x8732xi32>
    %reduce_max3A_90 = arith.constant dense<-2147483648> : vector<8732xi32>
    %reduce_max3A_91 = vector.multi_reduction <maxsi>, %select_n3A_89, %reduce_max3A_90 [0] : vector<12x8732xi32> to vector<8732xi32>
    %ge3A = arith.constant 0 : i32
    %ge3A_92 = vector.broadcast %ge3A : i32 to vector<8732xi32>
    %ge3A_93 = arith.cmpi sge, %reduce_max3A_91, %ge3A_92 : vector<8732xi32>
    %jit3A_94 = arith.constant 2.000000e+00 : f32
    %broadcast_in_dim3A_95 = vector.broadcast %jit3A_94 : f32 to vector<8732xf32>
    %select_n3A_96 = arith.select %ge3A_93, %broadcast_in_dim3A_95, %reduce_max3A_70 : vector<8732xi1>, vector<8732xf32>
    %select_n3A_97 = arith.select %ge3A_93, %reduce_max3A_91, %reduce_min3A_73 : vector<8732xi1>, vector<8732xi32>
    %broadcast_in_dim3A_98 = vector.shape_cast %select_n3A_97 : vector<8732xi32> to vector<1x8732xi32>
    %eq3A_99 = vector.broadcast %broadcast_in_dim3A_98 : vector<1x8732xi32> to vector<12x8732xi32>
    %eq3A_100 = arith.cmpi eq, %iota3A, %eq3A_99 : vector<12x8732xi32>
    %convert_element_type3A = arith.extui %eq3A_100 : vector<12x8732xi1> to vector<12x8732xi32>
    %convert_element_type3A_101 = arith.sitofp %convert_element_type3A : vector<12x8732xi32> to vector<12x8732xf32>
    %get3A_102 = arith.constant 0 : index
    %get3A_103 = arith.constant 0 : index
    %get3A_104 = arith.constant 0 : index
    %get3A_105 = vector.load %arg5[%get3A_102, %get3A_103, %get3A_104] : memref<1x5x12xf32, #tpu.memory_space<vmem>>, vector<1x5x12xf32>
    %get3A_106 = vector.shape_cast %get3A_105 : vector<1x5x12xf32> to vector<5x12xf32>
    %dot_general3A = arith.constant dense<0.000000e+00> : vector<5x8732xf32>
    %dot_general3A_107 = tpu.matmul %get3A_106, %convert_element_type3A_101, %dot_general3A {dimension_numbers = #tpu.dot_dimension_numbers<[1], [0], [0], [1], [0, 0, 1, 1], [], []>, transpose_lhs_hint = false} : vector<5x12xf32>, vector<12x8732xf32>, vector<5x8732xf32> -> vector<5x8732xf32>
    %slice3A_108 = vector.extract_strided_slice %dot_general3A_107 {offsets = [0, 0], sizes = [1, 8732], strides = [1, 1]} : vector<5x8732xf32> to vector<1x8732xf32>
    %squeeze3A = vector.shape_cast %slice3A_108 : vector<1x8732xf32> to vector<8732xf32>
    %slice3A_109 = vector.extract_strided_slice %dot_general3A_107 {offsets = [1, 0], sizes = [1, 8732], strides = [1, 1]} : vector<5x8732xf32> to vector<1x8732xf32>
    %squeeze3A_110 = vector.shape_cast %slice3A_109 : vector<1x8732xf32> to vector<8732xf32>
    %slice3A_111 = vector.extract_strided_slice %dot_general3A_107 {offsets = [2, 0], sizes = [1, 8732], strides = [1, 1]} : vector<5x8732xf32> to vector<1x8732xf32>
    %squeeze3A_112 = vector.shape_cast %slice3A_111 : vector<1x8732xf32> to vector<8732xf32>
    %slice3A_113 = vector.extract_strided_slice %dot_general3A_107 {offsets = [3, 0], sizes = [1, 8732], strides = [1, 1]} : vector<5x8732xf32> to vector<1x8732xf32>
    %squeeze3A_114 = vector.shape_cast %slice3A_113 : vector<1x8732xf32> to vector<8732xf32>
    %slice3A_115 = vector.extract_strided_slice %dot_general3A_107 {offsets = [4, 0], sizes = [1, 8732], strides = [1, 1]} : vector<5x8732xf32> to vector<1x8732xf32>
    %squeeze3A_116 = vector.shape_cast %slice3A_115 : vector<1x8732xf32> to vector<8732xf32>
    %lt3A = arith.constant 5.000000e-01 : f32
    %lt3A_117 = vector.broadcast %lt3A : f32 to vector<8732xf32>
    %lt3A_118 = arith.cmpf olt, %select_n3A_96, %lt3A_117 : vector<8732xf32>
    %add3A_119 = arith.constant 1.000000e+00 : f32
    %add3A_120 = vector.broadcast %add3A_119 : f32 to vector<8732xf32>
    %add3A_121 = arith.addf %squeeze3A_116, %add3A_120 : vector<8732xf32>
    %jit3A_122 = arith.constant 0.000000e+00 : f32
    %broadcast_in_dim3A_123 = vector.broadcast %jit3A_122 : f32 to vector<8732xf32>
    %select_n3A_124 = arith.select %lt3A_118, %broadcast_in_dim3A_123, %add3A_121 : vector<8732xi1>, vector<8732xf32>
    %gt3A = arith.constant 0.000000e+00 : f32
    %gt3A_125 = vector.broadcast %gt3A : f32 to vector<8732xf32>
    %gt3A_126 = arith.cmpf ogt, %select_n3A_124, %gt3A_125 : vector<8732xf32>
    %convert_element_type3A_127 = arith.extui %gt3A_126 : vector<8732xi1> to vector<8732xi32>
    %convert_element_type3A_128 = arith.sitofp %convert_element_type3A_127 : vector<8732xi32> to vector<8732xf32>
    %add3A_129 = arith.addf %squeeze3A, %squeeze3A_112 : vector<8732xf32>
    %mul3A_130 = arith.constant 5.000000e-01 : f32
    %mul3A_131 = vector.broadcast %mul3A_130 : f32 to vector<8732xf32>
    %mul3A_132 = arith.mulf %add3A_129, %mul3A_131 : vector<8732xf32>
    %sub3A_133 = arith.subf %mul3A_132, %get3A_17 : vector<8732xf32>
    %mul3A_134 = arith.mulf %sub3A_133, %get3A_25 : vector<8732xf32>
    %add3A_135 = arith.addf %squeeze3A_110, %squeeze3A_114 : vector<8732xf32>
    %mul3A_136 = arith.constant 5.000000e-01 : f32
    %mul3A_137 = vector.broadcast %mul3A_136 : f32 to vector<8732xf32>
    %mul3A_138 = arith.mulf %add3A_135, %mul3A_137 : vector<8732xf32>
    %sub3A_139 = arith.subf %mul3A_138, %get3A_21 : vector<8732xf32>
    %mul3A_140 = arith.mulf %sub3A_139, %get3A_29 : vector<8732xf32>
    %sub3A_141 = arith.subf %squeeze3A_112, %squeeze3A : vector<8732xf32>
    %mul3A_142 = arith.mulf %sub3A_141, %get3A_33 : vector<8732xf32>
    %log3A = math.log %mul3A_142 : vector<8732xf32>
    %mul3A_143 = arith.constant 5.000000e+00 : f32
    %mul3A_144 = vector.broadcast %mul3A_143 : f32 to vector<8732xf32>
    %mul3A_145 = arith.mulf %log3A, %mul3A_144 : vector<8732xf32>
    %sub3A_146 = arith.subf %squeeze3A_114, %squeeze3A_110 : vector<8732xf32>
    %mul3A_147 = arith.mulf %sub3A_146, %get3A_37 : vector<8732xf32>
    %log3A_148 = math.log %mul3A_147 : vector<8732xf32>
    %mul3A_149 = arith.constant 5.000000e+00 : f32
    %mul3A_150 = vector.broadcast %mul3A_149 : f32 to vector<8732xf32>
    %mul3A_151 = arith.mulf %log3A_148, %mul3A_150 : vector<8732xf32>
    %get3A_152 = arith.constant 0 : index
    %get3A_153 = arith.constant 0 : index
    %get3A_154 = arith.constant 0 : index
    %get3A_155 = vector.load %arg1[%get3A_152, %get3A_153, %get3A_154] : memref<1x4x8732xf32, #tpu.memory_space<vmem>>, vector<1x1x8732xf32>
    %get3A_156 = vector.shape_cast %get3A_155 : vector<1x1x8732xf32> to vector<8732xf32>
    %sub3A_157 = arith.subf %get3A_156, %mul3A_134 : vector<8732xf32>
    %abs3A = math.absf %sub3A_157 : vector<8732xf32>
    %lt3A_158 = arith.constant 1.000000e+00 : f32
    %lt3A_159 = vector.broadcast %lt3A_158 : f32 to vector<8732xf32>
    %lt3A_160 = arith.cmpf olt, %abs3A, %lt3A_159 : vector<8732xf32>
    %mul3A_161 = arith.constant 5.000000e-01 : f32
    %mul3A_162 = vector.broadcast %mul3A_161 : f32 to vector<8732xf32>
    %mul3A_163 = arith.mulf %mul3A_162, %sub3A_157 : vector<8732xf32>
    %mul3A_164 = arith.mulf %mul3A_163, %sub3A_157 : vector<8732xf32>
    %sub3A_165 = arith.constant 5.000000e-01 : f32
    %sub3A_166 = vector.broadcast %sub3A_165 : f32 to vector<8732xf32>
    %sub3A_167 = arith.subf %abs3A, %sub3A_166 : vector<8732xf32>
    %select_n3A_168 = arith.select %lt3A_160, %mul3A_164, %sub3A_167 : vector<8732xi1>, vector<8732xf32>
    %mul3A_169 = arith.mulf %select_n3A_168, %convert_element_type3A_128 : vector<8732xf32>
    %reduce_sum3A = vector.shape_cast %mul3A_169 : vector<8732xf32> to vector<1x8732xf32>
    %reduce_sum3A_170 = arith.constant dense<0.000000e+00> : vector<1xf32>
    %reduce_sum3A_171 = vector.multi_reduction <add>, %reduce_sum3A, %reduce_sum3A_170 [1] : vector<1x8732xf32> to vector<1xf32>
    %reduce_sum3A_172 = vector.shape_cast %reduce_sum3A_171 : vector<1xf32> to vector<1x1xf32>
    %reduce_sum3A_173 = vector.extract %reduce_sum3A_172[0, 0] : f32 from vector<1x1xf32>
    %add3A_174 = arith.constant 0.000000e+00 : f32
    %add3A_175 = arith.addf %add3A_174, %reduce_sum3A_173 : f32
    %get3A_176 = arith.constant 0 : index
    %get3A_177 = arith.constant 1 : index
    %get3A_178 = arith.constant 0 : index
    %get3A_179 = vector.load %arg1[%get3A_176, %get3A_177, %get3A_178] : memref<1x4x8732xf32, #tpu.memory_space<vmem>>, vector<1x1x8732xf32>
    %get3A_180 = vector.shape_cast %get3A_179 : vector<1x1x8732xf32> to vector<8732xf32>
    %sub3A_181 = arith.subf %get3A_180, %mul3A_140 : vector<8732xf32>
    %abs3A_182 = math.absf %sub3A_181 : vector<8732xf32>
    %lt3A_183 = arith.constant 1.000000e+00 : f32
    %lt3A_184 = vector.broadcast %lt3A_183 : f32 to vector<8732xf32>
    %lt3A_185 = arith.cmpf olt, %abs3A_182, %lt3A_184 : vector<8732xf32>
    %mul3A_186 = arith.constant 5.000000e-01 : f32
    %mul3A_187 = vector.broadcast %mul3A_186 : f32 to vector<8732xf32>
    %mul3A_188 = arith.mulf %mul3A_187, %sub3A_181 : vector<8732xf32>
    %mul3A_189 = arith.mulf %mul3A_188, %sub3A_181 : vector<8732xf32>
    %sub3A_190 = arith.constant 5.000000e-01 : f32
    %sub3A_191 = vector.broadcast %sub3A_190 : f32 to vector<8732xf32>
    %sub3A_192 = arith.subf %abs3A_182, %sub3A_191 : vector<8732xf32>
    %select_n3A_193 = arith.select %lt3A_185, %mul3A_189, %sub3A_192 : vector<8732xi1>, vector<8732xf32>
    %mul3A_194 = arith.mulf %select_n3A_193, %convert_element_type3A_128 : vector<8732xf32>
    %reduce_sum3A_195 = vector.shape_cast %mul3A_194 : vector<8732xf32> to vector<1x8732xf32>
    %reduce_sum3A_196 = arith.constant dense<0.000000e+00> : vector<1xf32>
    %reduce_sum3A_197 = vector.multi_reduction <add>, %reduce_sum3A_195, %reduce_sum3A_196 [1] : vector<1x8732xf32> to vector<1xf32>
    %reduce_sum3A_198 = vector.shape_cast %reduce_sum3A_197 : vector<1xf32> to vector<1x1xf32>
    %reduce_sum3A_199 = vector.extract %reduce_sum3A_198[0, 0] : f32 from vector<1x1xf32>
    %add3A_200 = arith.addf %add3A_175, %reduce_sum3A_199 : f32
    %get3A_201 = arith.constant 0 : index
    %get3A_202 = arith.constant 2 : index
    %get3A_203 = arith.constant 0 : index
    %get3A_204 = vector.load %arg1[%get3A_201, %get3A_202, %get3A_203] : memref<1x4x8732xf32, #tpu.memory_space<vmem>>, vector<1x1x8732xf32>
    %get3A_205 = vector.shape_cast %get3A_204 : vector<1x1x8732xf32> to vector<8732xf32>
    %sub3A_206 = arith.subf %get3A_205, %mul3A_145 : vector<8732xf32>
    %abs3A_207 = math.absf %sub3A_206 : vector<8732xf32>
    %lt3A_208 = arith.constant 1.000000e+00 : f32
    %lt3A_209 = vector.broadcast %lt3A_208 : f32 to vector<8732xf32>
    %lt3A_210 = arith.cmpf olt, %abs3A_207, %lt3A_209 : vector<8732xf32>
    %mul3A_211 = arith.constant 5.000000e-01 : f32
    %mul3A_212 = vector.broadcast %mul3A_211 : f32 to vector<8732xf32>
    %mul3A_213 = arith.mulf %mul3A_212, %sub3A_206 : vector<8732xf32>
    %mul3A_214 = arith.mulf %mul3A_213, %sub3A_206 : vector<8732xf32>
    %sub3A_215 = arith.constant 5.000000e-01 : f32
    %sub3A_216 = vector.broadcast %sub3A_215 : f32 to vector<8732xf32>
    %sub3A_217 = arith.subf %abs3A_207, %sub3A_216 : vector<8732xf32>
    %select_n3A_218 = arith.select %lt3A_210, %mul3A_214, %sub3A_217 : vector<8732xi1>, vector<8732xf32>
    %mul3A_219 = arith.mulf %select_n3A_218, %convert_element_type3A_128 : vector<8732xf32>
    %reduce_sum3A_220 = vector.shape_cast %mul3A_219 : vector<8732xf32> to vector<1x8732xf32>
    %reduce_sum3A_221 = arith.constant dense<0.000000e+00> : vector<1xf32>
    %reduce_sum3A_222 = vector.multi_reduction <add>, %reduce_sum3A_220, %reduce_sum3A_221 [1] : vector<1x8732xf32> to vector<1xf32>
    %reduce_sum3A_223 = vector.shape_cast %reduce_sum3A_222 : vector<1xf32> to vector<1x1xf32>
    %reduce_sum3A_224 = vector.extract %reduce_sum3A_223[0, 0] : f32 from vector<1x1xf32>
    %add3A_225 = arith.addf %add3A_200, %reduce_sum3A_224 : f32
    %get3A_226 = arith.constant 0 : index
    %get3A_227 = arith.constant 3 : index
    %get3A_228 = arith.constant 0 : index
    %get3A_229 = vector.load %arg1[%get3A_226, %get3A_227, %get3A_228] : memref<1x4x8732xf32, #tpu.memory_space<vmem>>, vector<1x1x8732xf32>
    %get3A_230 = vector.shape_cast %get3A_229 : vector<1x1x8732xf32> to vector<8732xf32>
    %sub3A_231 = arith.subf %get3A_230, %mul3A_151 : vector<8732xf32>
    %abs3A_232 = math.absf %sub3A_231 : vector<8732xf32>
    %lt3A_233 = arith.constant 1.000000e+00 : f32
    %lt3A_234 = vector.broadcast %lt3A_233 : f32 to vector<8732xf32>
    %lt3A_235 = arith.cmpf olt, %abs3A_232, %lt3A_234 : vector<8732xf32>
    %mul3A_236 = arith.constant 5.000000e-01 : f32
    %mul3A_237 = vector.broadcast %mul3A_236 : f32 to vector<8732xf32>
    %mul3A_238 = arith.mulf %mul3A_237, %sub3A_231 : vector<8732xf32>
    %mul3A_239 = arith.mulf %mul3A_238, %sub3A_231 : vector<8732xf32>
    %sub3A_240 = arith.constant 5.000000e-01 : f32
    %sub3A_241 = vector.broadcast %sub3A_240 : f32 to vector<8732xf32>
    %sub3A_242 = arith.subf %abs3A_232, %sub3A_241 : vector<8732xf32>
    %select_n3A_243 = arith.select %lt3A_235, %mul3A_239, %sub3A_242 : vector<8732xi1>, vector<8732xf32>
    %mul3A_244 = arith.mulf %select_n3A_243, %convert_element_type3A_128 : vector<8732xf32>
    %reduce_sum3A_245 = vector.shape_cast %mul3A_244 : vector<8732xf32> to vector<1x8732xf32>
    %reduce_sum3A_246 = arith.constant dense<0.000000e+00> : vector<1xf32>
    %reduce_sum3A_247 = vector.multi_reduction <add>, %reduce_sum3A_245, %reduce_sum3A_246 [1] : vector<1x8732xf32> to vector<1xf32>
    %reduce_sum3A_248 = vector.shape_cast %reduce_sum3A_247 : vector<1xf32> to vector<1x1xf32>
    %reduce_sum3A_249 = vector.extract %reduce_sum3A_248[0, 0] : f32 from vector<1x1xf32>
    %add3A_250 = arith.addf %add3A_225, %reduce_sum3A_249 : f32
    %get3A_251 = arith.constant 0 : index
    %get3A_252 = arith.constant 0 : index
    %get3A_253 = arith.constant 0 : index
    %get3A_254 = vector.load %arg2[%get3A_251, %get3A_252, %get3A_253] : memref<1x21x8732xf32, #tpu.memory_space<vmem>>, vector<1x21x8732xf32>
    %get3A_255 = vector.shape_cast %get3A_254 : vector<1x21x8732xf32> to vector<21x8732xf32>
    %reduce_max3A_256 = arith.constant dense<0xFF800000> : vector<8732xf32>
    %reduce_max3A_257 = vector.multi_reduction <maximumf>, %get3A_255, %reduce_max3A_256 [0] : vector<21x8732xf32> to vector<8732xf32>
    %broadcast_in_dim3A_258 = vector.shape_cast %reduce_max3A_257 : vector<8732xf32> to vector<1x8732xf32>
    %sub3A_259 = vector.broadcast %broadcast_in_dim3A_258 : vector<1x8732xf32> to vector<21x8732xf32>
    %sub3A_260 = arith.subf %get3A_255, %sub3A_259 : vector<21x8732xf32>
    %exp3A = math.exp %sub3A_260 : vector<21x8732xf32>
    %reduce_sum3A_261 = arith.constant dense<0.000000e+00> : vector<8732xf32>
    %reduce_sum3A_262 = vector.multi_reduction <add>, %exp3A, %reduce_sum3A_261 [0] : vector<21x8732xf32> to vector<8732xf32>
    %log3A_263 = math.log %reduce_sum3A_262 : vector<8732xf32>
    %add3A_264 = arith.addf %log3A_263, %reduce_max3A_257 : vector<8732xf32>
    %iota3A_265 = tpu.iota {dimensions = array<i32: 0>} : vector<21x8732xi32>
    %convert_element_type3A_266 = arith.fptosi %select_n3A_124 : vector<8732xf32> to vector<8732xi32>
    %broadcast_in_dim3A_267 = vector.shape_cast %convert_element_type3A_266 : vector<8732xi32> to vector<1x8732xi32>
    %eq3A_268 = vector.broadcast %broadcast_in_dim3A_267 : vector<1x8732xi32> to vector<21x8732xi32>
    %eq3A_269 = arith.cmpi eq, %iota3A_265, %eq3A_268 : vector<21x8732xi32>
    %jit3A_270 = arith.constant 0.000000e+00 : f32
    %broadcast_in_dim3A_271 = vector.broadcast %jit3A_270 : f32 to vector<21x8732xf32>
    %select_n3A_272 = arith.select %eq3A_269, %get3A_255, %broadcast_in_dim3A_271 : vector<21x8732xi1>, vector<21x8732xf32>
    %reduce_sum3A_273 = arith.constant dense<0.000000e+00> : vector<8732xf32>
    %reduce_sum3A_274 = vector.multi_reduction <add>, %select_n3A_272, %reduce_sum3A_273 [0] : vector<21x8732xf32> to vector<8732xf32>
    %sub3A_275 = arith.subf %add3A_264, %reduce_sum3A_274 : vector<8732xf32>
    %jit3A_276 = arith.constant -2.000000e+00 : f32
    %broadcast_in_dim3A_277 = vector.broadcast %jit3A_276 : f32 to vector<8732xf32>
    %select_n3A_278 = arith.select %gt3A_126, %broadcast_in_dim3A_277, %sub3A_275 : vector<8732xi1>, vector<8732xf32>
    %broadcast_in_dim3A_279 = arith.constant -3.000000e+00 : f32
    %broadcast_in_dim3A_280 = vector.broadcast %broadcast_in_dim3A_279 : f32 to vector<4xf32>
    %concatenate3A = tpu.concatenate %select_n3A_278, %broadcast_in_dim3A_280 in 0 : vector<8732xf32>, vector<4xf32> -> vector<8736xf32>
    %swap3A = arith.constant 0 : index
    %swap3A_281 = arith.constant 0 : index
    %swap3A_282 = arith.constant 0 : index
    %swap3A_283 = vector.load %arg8[%swap3A, %swap3A_281, %swap3A_282] : memref<1x1x8736xf32, #tpu.memory_space<vmem>>, vector<1x1x8736xf32>
    %swap3A_284 = vector.shape_cast %swap3A_283 : vector<1x1x8736xf32> to vector<8736xf32>
    %swap3A_285 = vector.shape_cast %concatenate3A : vector<8736xf32> to vector<1x1x8736xf32>
    tpu.vector_store %arg8[%swap3A, %swap3A_281, %swap3A_282], %swap3A_285 {strides = array<i32>} : memref<1x1x8736xf32, #tpu.memory_space<vmem>>, vector<1x1x8736xf32>,
    %eq3A_286 = arith.constant 0 : i32
    %eq3A_287 = arith.cmpi eq, %arg0, %eq3A_286 : i32
    %convert_element_type3A_288 = arith.extui %eq3A_287 : i1 to i32
    %cond3A = arith.constant 0 : i32
    %cond3A_289 = arith.cmpi ne, %convert_element_type3A_288, %cond3A : i32
    scf.if %cond3A_289 {
      %swap3A_310 = arith.constant 0.000000e+00 : f32
      %swap3A_311 = arith.constant 0 : index
      %swap3A_312 = arith.constant 0 : index
      %swap3A_313 = memref.load %arg6[%swap3A_311, %swap3A_312] : memref<1x1xf32, #tpu.memory_space<smem>>
      memref.store %swap3A_310, %arg6[%swap3A_311, %swap3A_312] : memref<1x1xf32, #tpu.memory_space<smem>>
      %swap3A_314 = arith.constant 0.000000e+00 : f32
      %swap3A_315 = arith.constant 0 : index
      %swap3A_316 = arith.constant 0 : index
      %swap3A_317 = memref.load %arg7[%swap3A_315, %swap3A_316] : memref<1x1xf32, #tpu.memory_space<smem>>
      memref.store %swap3A_314, %arg7[%swap3A_315, %swap3A_316] : memref<1x1xf32, #tpu.memory_space<smem>>
    } else {
    }
    %get3A_290 = arith.constant 0 : index
    %get3A_291 = arith.constant 0 : index
    %get3A_292 = memref.load %arg6[%get3A_290, %get3A_291] : memref<1x1xf32, #tpu.memory_space<smem>>
    %add3A_293 = arith.addf %get3A_292, %add3A_250 : f32
    %swap3A_294 = arith.constant 0 : index
    %swap3A_295 = arith.constant 0 : index
    %swap3A_296 = memref.load %arg6[%swap3A_294, %swap3A_295] : memref<1x1xf32, #tpu.memory_space<smem>>
    memref.store %add3A_293, %arg6[%swap3A_294, %swap3A_295] : memref<1x1xf32, #tpu.memory_space<smem>>
    %get3A_297 = arith.constant 0 : index
    %get3A_298 = arith.constant 0 : index
    %get3A_299 = memref.load %arg7[%get3A_297, %get3A_298] : memref<1x1xf32, #tpu.memory_space<smem>>
    %mul3A_300 = arith.mulf %sub3A_275, %convert_element_type3A_128 : vector<8732xf32>
    %reduce_sum3A_301 = vector.shape_cast %mul3A_300 : vector<8732xf32> to vector<1x8732xf32>
    %reduce_sum3A_302 = arith.constant dense<0.000000e+00> : vector<1xf32>
    %reduce_sum3A_303 = vector.multi_reduction <add>, %reduce_sum3A_301, %reduce_sum3A_302 [1] : vector<1x8732xf32> to vector<1xf32>
    %reduce_sum3A_304 = vector.shape_cast %reduce_sum3A_303 : vector<1xf32> to vector<1x1xf32>
    %reduce_sum3A_305 = vector.extract %reduce_sum3A_304[0, 0] : f32 from vector<1x1xf32>
    %add3A_306 = arith.addf %get3A_299, %reduce_sum3A_305 : f32
    %swap3A_307 = arith.constant 0 : index
    %swap3A_308 = arith.constant 0 : index
    %swap3A_309 = memref.load %arg7[%swap3A_307, %swap3A_308] : memref<1x1xf32, #tpu.memory_space<smem>>
    memref.store %add3A_306, %arg7[%swap3A_307, %swap3A_308] : memref<1x1xf32, #tpu.memory_space<smem>>
    return
  }
  func.func @transform_0(%arg0: i32) -> (i32, i32, i32) {
    %c0_i32 = arith.constant 0 : i32
    %c0_i32_0 = arith.constant 0 : i32
    %c0_i32_1 = arith.constant 0 : i32
    return %arg0, %c0_i32, %c0_i32_0 : i32, i32, i32
  }
  func.func @transform_1(%arg0: i32) -> (i32, i32, i32) {
    %c0_i32 = arith.constant 0 : i32
    %c0_i32_0 = arith.constant 0 : i32
    %c0_i32_1 = arith.constant 0 : i32
    return %arg0, %c0_i32, %c0_i32_0 : i32, i32, i32
  }
  func.func @transform_2(%arg0: i32) -> (i32, i32) {
    %c0_i32 = arith.constant 0 : i32
    %c0_i32_0 = arith.constant 0 : i32
    %c0_i32_1 = arith.constant 0 : i32
    return %c0_i32, %c0_i32_0 : i32, i32
  }
  func.func @transform_3(%arg0: i32) -> (i32, i32, i32) {
    %c0_i32 = arith.constant 0 : i32
    %c0_i32_0 = arith.constant 0 : i32
    %c0_i32_1 = arith.constant 0 : i32
    return %arg0, %c0_i32, %c0_i32_0 : i32, i32, i32
  }
  func.func @transform_4(%arg0: i32) -> (i32, i32, i32) {
    %c0_i32 = arith.constant 0 : i32
    %c0_i32_0 = arith.constant 0 : i32
    %c0_i32_1 = arith.constant 0 : i32
    return %arg0, %c0_i32, %c0_i32_0 : i32, i32, i32
  }
  func.func @transform_5(%arg0: i32) -> (i32, i32) {
    %c0_i32 = arith.constant 0 : i32
    %c0_i32_0 = arith.constant 0 : i32
    %c0_i32_1 = arith.constant 0 : i32
    return %c0_i32, %c0_i32_0 : i32, i32
  }
  func.func @transform_6(%arg0: i32) -> (i32, i32) {
    %c0_i32 = arith.constant 0 : i32
    %c0_i32_0 = arith.constant 0 : i32
    %c0_i32_1 = arith.constant 0 : i32
    return %c0_i32, %c0_i32_0 : i32, i32
  }
  func.func @transform_7(%arg0: i32) -> (i32, i32, i32) {
    %c0_i32 = arith.constant 0 : i32
    %c0_i32_0 = arith.constant 0 : i32
    %c0_i32_1 = arith.constant 0 : i32
    return %arg0, %c0_i32, %c0_i32_0 : i32, i32, i32
  }
}

</mosaic_0001>

<sc_bundles>
// kernel: kernel.4.cloned.1.call-start
scs
__scs_entry_jumppad:
0x0: {  	(pc) =	sbr.rel $0x88, $3  }
0x1: {  	(tag) =	ssettag $0x0;
	lr =	simm.s32 $0x1  }
0x2: {  	[smem:$0x3F9D] =	sst lr;
	_ =	strace $0xD0000000  }
0x3: {  	_ = 	snop  }
0x4: {  	_ = 	snop  }
0x5: {  	_ = 	snop  }
0x6: {  	_ = 	snop  }
0x7: {  	_ = 	snop  }
__scs_overlays_trampoline_lowered:
0x8: {  	[smem:$0x3FAC] =	sst s0  }
0x9: {  	[smem:$0x3FAD] =	sst s1  }
0xa: {  	[smem:$0x3FAE] =	sst s2  }
0xb: {  	[smem:$0x3FAF] =	sst s3  }
0xc: {  	[smem:$0x3FB0] =	sst s4  }
0xd: {  	[smem:$0x3FB1] =	sst s5  }
0xe: {  	[smem:$0x3FB2] =	sst s6  }
0xf: {  	[smem:$0x3FB3] =	sst s7  }
0x10: {  	[smem:$0x3FB4] =	sst s8  }
0x11: {  	[smem:$0x3FB5] =	sst s9;
	s0 =	simm.s32 @!p0 $0x0  }
0x12: {  	s1 =	sld [smem:$0x3F9B];
	s0 =	simm.s32 @p0 $0x1  }
0x13: {  	[smem:$0x3FB6] =	sst s0;
	s0 =	simm.s32 @!p1 $0x0  }
0x14: {  	s2 =	sld [smem:$0x3F9A];
	s0 =	simm.s32 @p1 $0x1  }
0x15: {  	[smem:$0x3FB7] =	sst s0;
	s0 =	simm.s32 @!p2 $0x0  }
0x16: {  	s3 =	sld [smem:$0x3FDB];
	s0 =	simm.s32 @p2 $0x1  }
0x17: {  	s4 =	simm.s32 $0x1BF5;
	[smem:$0x3FB9] =	sst s0  }
0x18: {  	s0 =	sld [smem:$0x3F9C];
	_ =	swait.ge [sflag:s4], $0x0  }
0x19: {  	s7 =	sld [smem:$0x3F9D]  }
0x1a: {  	s8 =	sadd.s32 $0xFFFFE003, lr  }
0x1b: {  	s9 =	sadd.s32 $0xFFFFFEF7, lr;
	s5 =	simm.s32 $0xFFFFFFFF;
	p2 =	slt.u32 s8, $0xFFFFF086  }
0x1c: {  	p1 =	slt.u32 s9, $0xF7A;
	s5 =	simm.s32 @!p2 $0x0  }
0x1d: {  	s5 =	simm.s32 @p1 $0x1;
	p0 =	seq.s32 s7, s2  }
0x1e: {  	s7 =	smul.u32 @!p0 $0xF7A, s2;
	p2 =	seq.s32 @!p0 s5, $0x0  }
0x1f: {  	s9 =	smul.u32 $0xF7A, s1;
	s8 =	simm.s32 @!p0 $0x1BF5;
	p2 =	por !p2, p0  }
0x20: {  	[sflag:s8] =	ssyncset.s32 @!p0 $0xFFFFF086;
	s6 =	sadd.s32 @!p0 s3, s7;
	s7 =	simm.s32 @!p0 $0x108  }
0x21: {  	s3 =	sadd.s32 s3, s9;
	s6 =	sadd.s32 @!p0 $0x88, s6;
	s7 =	simm.s32 @p2 $0x1082  }
0x22: {  	[simem:s7], [sflag:s8] =	dma.local @!p0 [hbm:s6], $0xF7A  }
0x23: {  	s9 =	sor.u32 $0xD0000000, s2;
	s6 =	simm.s32 $0x108;
	_ =	swait.ge @!p0 [sflag:s8], $0x0  }
0x24: {  	s3 =	sadd.s32 $0x88, s3;
	s6 =	simm.s32 @!p1 $0x1082;
	[sflag:s4] =	ssyncset.s32 $0xFFFFF086  }
0x25: {  	[simem:s6], [sflag:s4] =	dma.local [hbm:s3], $0xF7A  }
0x26: {  	[smem:$0x3F9D] =	sst s1;
	(tag) =	ssettag s2;
	_ =	strace s9  }
0x27: {  	s1 =	sld [smem:$0x3FAD]  }
0x28: {  	s2 =	sld [smem:$0x3FAE]  }
0x29: {  	s4 =	sld [smem:$0x3FB0]  }
0x2a: {  	p0 =	seq.s32 s5, $0x0;
	s5 =	sld [smem:$0x3FB1]  }
0x2b: {  	s6 =	sld [smem:$0x3FB2]  }
0x2c: {  	s7 =	sld [smem:$0x3FB3]  }
0x2d: {  	s3 =	simm.s32 $0x108;
	s8 =	sld [smem:$0x3FB4]  }
0x2e: {  	s3 =	simm.s32 @!p0 $0x1082;
	s9 =	sld [smem:$0x3FB5]  }
0x2f: {  	lr =	sadd.s32 s0, s3;
	s0 =	sld [smem:$0x3FAC]  }
0x30: {  	s3 =	sld [smem:$0x3FAF]  }
0x31: {  	[smem:$0x3FB8] =	sst s10  }
0x32: {  	s10 =	sld [smem:$0x3FB6];
	_ =	sdelay $0x3  }
0x33: {  	p0 =	seq.s32 s10, $0x1;
	s10 =	sld [smem:$0x3FB8];
	_ =	sdelay $0x3  }
0x34: {  	[smem:$0x3FB8] =	sst s10  }
0x35: {  	s10 =	sld [smem:$0x3FB7];
	_ =	sdelay $0x3  }
0x36: {  	p1 =	seq.s32 s10, $0x1;
	s10 =	sld [smem:$0x3FB8];
	_ =	sdelay $0x3  }
0x37: {  	[smem:$0x3FB8] =	sst s10  }
0x38: {  	s10 =	sld [smem:$0x3FB9]  }
0x39: {  	_ = 	snop;
	(pc) =	sbr.ind lr, $3  }
0x3a: {  	_ = 	snop  }
0x3b: {  	_ = 	snop  }
0x3c: {  	p2 =	seq.s32 s10, $0x1;
	s10 =	sld [smem:$0x3FB8]  }
0x3d: {  	_ =	shalt  }
0x3e: {  	_ =	shalt  }
0x3f: {  	_ =	shalt  }
0x40: {  	_ =	shalt  }
0x41: {  	_ =	shalt  }
0x42: {  	_ =	shalt  }
0x43: {  	_ =	shalt  }
0x44: {  	_ =	shalt  }
0x45: {  	_ =	shalt  }
0x46: {  	_ =	shalt  }
0x47: {  	_ =	shalt  }
0x48: {  	_ =	shalt  }
0x49: {  	_ =	shalt  }
0x4a: {  	_ =	shalt  }
0x4b: {  	_ =	shalt  }
0x4c: {  	_ =	shalt  }
0x4d: {  	_ =	shalt  }
0x4e: {  	_ =	shalt  }
0x4f: {  	_ =	shalt  }
0x50: {  	_ =	shalt  }
0x51: {  	_ =	shalt  }
0x52: {  	_ =	shalt  }
0x53: {  	_ =	shalt  }
0x54: {  	_ =	shalt  }
0x55: {  	_ =	shalt  }
0x56: {  	_ =	shalt  }
0x57: {  	_ =	shalt  }
0x58: {  	_ =	shalt  }
0x59: {  	_ =	shalt  }
0x5a: {  	_ =	shalt  }
0x5b: {  	_ =	shalt  }
0x5c: {  	_ =	shalt  }
0x5d: {  	_ =	shalt  }
0x5e: {  	_ =	shalt  }
0x5f: {  	_ =	shalt  }
0x60: {  	_ =	shalt  }
0x61: {  	_ =	shalt  }
0x62: {  	_ =	shalt  }
0x63: {  	_ =	shalt  }
0x64: {  	_ =	shalt  }
0x65: {  	_ =	shalt  }
0x66: {  	_ =	shalt  }
0x67: {  	_ =	shalt  }
0x68: {  	_ =	shalt  }
0x69: {  	_ =	shalt  }
0x6a: {  	_ =	shalt  }
0x6b: {  	_ =	shalt  }
0x6c: {  	_ =	shalt  }
0x6d: {  	_ =	shalt  }
0x6e: {  	_ =	shalt  }
0x6f: {  	_ =	shalt  }
0x70: {  	_ =	shalt  }
0x71: {  	_ =	shalt  }
0x72: {  	_ =	shalt  }
0x73: {  	_ =	shalt  }
0x74: {  	_ =	shalt  }
0x75: {  	_ =	shalt  }
0x76: {  	_ =	shalt  }
0x77: {  	_ =	shalt  }
0x78: {  	_ =	shalt  }
0x79: {  	_ =	shalt  }
0x7a: {  	_ =	shalt  }
0x7b: {  	_ =	shalt  }
0x7c: {  	_ =	shalt  }
0x7d: {  	_ =	shalt  }
0x7e: {  	_ =	shalt  }
0x7f: {  	_ =	shalt  }
0x80: {  	_ =	shalt  }
0x81: {  	_ =	shalt  }
0x82: {  	_ =	shalt  }
0x83: {  	_ =	shalt  }
0x84: {  	_ =	shalt  }
0x85: {  	_ =	shalt  }
0x86: {  	_ =	shalt  }
0x87: {  	_ =	shalt  }
.Lfunc_end0:
.L_simem_size_0:
called_computation_lowered:
.L_overlay_start_0:
0x88: {  	s2 =	sld [smem:$0x3FD9]  }
0x89: {  	s3 =	sld [smem:$0x3FFE];
	_ =	sdelay $0x1  }
0x8a: {  	s1 =	srdreg.scid  }
0x8b: {  	s0 =	sand.u32 $0x1, s1  }
0x8c: {  	s16 =	sshll.u32 s0, $0xA;
	s2 =	sadd.s32 s3, s2  }
0x8d: {  	s2 =	sadd.s32 s2, s16  }
0x8e: {  	[smem:$0x3FC4] =	sst s2  }
0x8f: {  	_ = 	snop  }
0x90: {  	(tm) =	ssettm $0x1  }
0x91: {  	s17 =	sld [smem:$0x3FFB];
	_ =	sdelay $0x3  }
0x92: {  	_ =	strace s17  }
0x93: {  	s2 =	sld [smem:$0x3FFC];
	_ =	sdelay $0x3  }
0x94: {  	_ =	strace s2  }
0x95: {  	s2 =	sld [smem:$0x3FFD];
	_ =	sdelay $0x3  }
0x96: {  	_ =	strace s2  }
0x97: {  	_ =	strace $0x8FFFFFFF  }
0x98: {  	s18 =	sld [smem:$0x3FDB];
	_ =	sdelay $0x1  }
0x99: {  	s19 =	simm.s32 $_scs_section_size  }
0x9a: {  	s4 =	simm.s32 $_size__tile_overlayer_lowered;
	s5 =	simm.s32 $_tile_overlayer_lowered  }
0x9b: {  	s22 =	simm.s32 $0x1BFF;
	s21 =	sshll.u32 s5, $0x1;
	s2 =	sadd.s32 s19, s18  }
0x9c: {  	s6 =	simm.s32 $0x0;
	s20 =	sshll.u32 s4, $0x1;
	s4 =	sadd.s32 s21, s2  }
0x9d: {  	[timem:s6], [sflag:s22] =	dma.local [hbm:s4], s20  }
0x9e: {  	_ =	swait.ge [sflag:s22], s20  }
0x9f: {  	s3 =	ssub.s32 $0x0, s20;
	[sflag:s22] =	ssyncset.done $0x0  }
0xa0: {  	[sflag:s22] =	ssyncadd.s32 s3;
	_ =	sdelay $0x1  }
0xa1: {  	s23 =	simm.s32 $0x1B8B  }
0xa2: {  	_ =	swait.ge [sflag:s23], $0x1  }
0xa3: {  	[sflag:s23] =	ssyncset.done $0x0  }
0xa4: {  	s25 =	simm.s32 $0x1B8E;
	s24 =	sld [smem:$0x3FFE];
	[sflag:s23] =	ssyncadd.s32 $0xFFFFFFFF  }
0xa5: {  	s26 =	simm.s32 $execute0_lowered;
	[smem:$0x3FD2] =	sst s25  }
0xa6: {  	s4 =	sshll.u32 s26, $0x1;
	_ =	strace $0x80000046;
	[dreg:$0x1] =	wrdreg $0xFFFFFFFF  }
0xa7: {  	s28 =	simm.s32 $_size_execute0_lowered;
	s2 =	sadd.s32 s2, s4;
	[dreg:$0x0] =	wrdreg $0x0  }
0xa8: {  	s4 =	sshll.u32 s28, $0x1;
	[dreg:$0x2] =	wrdreg s2  }
0xa9: {  	[dreg:$0x3] =	wrdreg s4  }
0xaa: {  	[dreg:$0x4] =	wrdreg $0xC0  }
0xab: {  	_ =	task [dreg:s6], $0x5FFFF  }
0xac: {  	[dreg:$0x1] =	wrdreg $0xFFFFFFFF  }
0xad: {  	[dreg:$0x0] =	wrdreg $0x60  }
0xae: {  	[dreg:$0x2] =	wrdreg s24  }
0xaf: {  	[dreg:$0x3] =	wrdreg $0x9  }
0xb0: {  	_ =	task.clear_ibuf [dreg:s6], $0x4FFFF;
	_ =	strace $0x90000046  }
0xb1: {  	s29 =	simm.s32 $0x9;
	_ =	strace $0x80000048  }
0xb2: {  	_ =	swait.ge [sflag:s29], $0x1  }
0xb3: {  	[sflag:s29] =	ssyncadd.s32 $0xFFFFFFFF  }
0xb4: {  	_ =	strace $0x90000048  }
0xb5: {  	_ =	sfence  }
0xb6: {  	s30 =	sld [smem:$0x0];
	_ =	sdelay $0x2  }
0xb7: {  	s31 =	sshll.u32 s1, $0xD;
	s1 =	sshrl.u32 s1, $0x2  }
0xb8: {  	s3 =	sand.u32 $0x4000, s31;
	s1 =	sadd.s32 s1, s30  }
0xb9: {  	s0 =	sor.u32 s3, s0;
	s1 =	sshll.u32 s1, $0x11  }
0xba: {  	s0 =	sor.u32 s1, s0  }
0xbb: {  	s0 =	sadd.s32 $0x8F2B, s0  }
0xbc: {  	[sflag:s0] =	ssyncadd.remote.s32 $0x1  }
0xbd: {  	_ =	sfence.sel $0xFFFF  }
0xbe: {  	[dreg:$0x0] =	wrdreg $0xFFFFFFFF;
	(pc) =	sbr.abs _section_cstart, $3  }
0xbf: {  	[dreg:$0x1] =	wrdreg $0xFFFFFFFF  }
0xc0: {  	_ =	task.clear_ibuf [dreg:s6], $0x2FFFF;
	_ =	strace $0x9FFFFFFF  }
0xc1: {  	(tm) =	ssettm $0x7FFFFFFF  }
tec
execute0_lowered:
.L_overlay_start_1:
0x0: {  	(tag) =	ssettag $0x1  }
0x1: {  	s3 =	rddreg [dreg:$0x0];
	v0 =	vimm.s32 $0x76543210;
	v1 =	vimm.s32 $0xFEDCBA98;
	v2 =	vimm.s32 $0xBA98FEDC  }
0x2: {  	s0 =	rddreg [dreg:$0x1];
	s1 =	simm.s32 $0x0;
	v3 =	vimm.s32 $0x32107654;
	v4 =	vimm.s32 $0xDCFE98BA;
	v5 =	vimm.s32 $0x54761032  }
0x3: {  	s4 =	srdreg.scid;
	s2 =	stileid.u32;
	v6 =	vimm.s32 $0xEFCDAB89;
	v7 =	vimm.s32 $0x67452301;
	s9 =	simm.s32 $0x2300  }
0x4: {  	s10 =	simm.s32 $0x2280;
	s11 =	simm.s32 $0x0;
	[smem:$0x7FF] =	sst s1;
	v0 =	vunpack.c.l.s4.s8 v0;
	v1 =	vunpack.c.l.s4.s8 v1;
	v2 =	vunpack.c.l.s4.s8 v2  }
0x5: {  	s4 =	sand.u32 $0x1, s4;
	s5 =	sshrl.u32 s2, $0x2;
	s6 =	sshll.u32 s2, $0x8;
	v3 =	vunpack.c.l.s4.s8 v3;
	v4 =	vunpack.c.l.s4.s8 v4;
	v5 =	vunpack.c.l.s4.s8 v5  }
0x6: {  	v6 =	vunpack.c.l.s4.s8 v6;
	v7 =	vunpack.c.l.s4.s8 v7;
	s7 =	sshll.u32 s4, $0x7;
	s6 =	sand.u32 $0x300, s6;
	s8 =	smul.u32 $0x11400, s5;
	v2 =	vunpack.c.0.s8.s32 v2  }
0x7: {  	_ =	strace $0x80000047;
	s5 =	sshll.u32 s5, $0xA;
	s6 =	sor.u32 s7, s6;
	v3 =	vunpack.c.0.s8.s32 v3;
	v4 =	vunpack.c.0.s8.s32 v4;
	v5 =	vunpack.c.0.s8.s32 v5  }
0x8: {  	s4 =	ssub.s32 $0x2, s4;
	v1 =	vunpack.c.0.s8.s32 v1;
	v6 =	vunpack.c.0.s8.s32 v6;
	v7 =	vunpack.c.0.s8.s32 v7;
	s7 =	sor.u32 s8, s6;
	s5 =	sor.u32 s5, s6  }
0x9: {  	s31 =	sshrl.u32 s4, $0x1;
	s30 =	sshrl.u32 s7, $0x3;
	s5 =	sshrl.u32 s5, $0x3;
	v2 =	vcombine.low v3, v2;
	v3 =	vcombine.low v5, v4;
	v4 =	vunpack.c.0.s8.s32 v0  }
0xa: {  	vm0 =	vcmask $0x3F08;
	s8 =	simm.s32 $0x1;
	v5 =	vcombine.low v7, v6;
	v1 =	vand.u32 $0xF, v1;
	s6 =	sadd.s32 s30, s3;
	s5 =	sadd.s32 s5, s3  }
0xb: {  	vm1 =	vmmov $0x1;
	s7 =	ssub.s32 s4, s31;
	v0 =	vimm.f32 $0.0e+00;
	s3 =	sadd.s32 $0xA00, s6;
	s4 =	sadd.s32 $0x9400, s5;
	v1 =	vcombine.low v1, v4  }
0xc: {  	s5 =	smax.u32 s7, $0x1;
	s6 =	simm.s32 $0x80;
	s7 =	simm.s32 $0x400;
	v2 =	vand.u32 $0xF, v2;
	v3 =	vand.u32 $0xF, v3;
	v4 =	vand.u32 $0xF, v5  }
.LBB2_1:
0xd: {  	[tilespmem:s1], [sflag:$0x1] =	stream.strided.gather [hbm4b:s3+s6], $0x2280, s7, s6, $0x38;
	[tilespmem:$0x2380] =	vst v63  }
0xe: {  	_ =	swait.ge [sflag:s8], $0x2280  }
0xf: {  	[sflag:s8] =	ssyncset.done $0x0  }
0x10: {  	s12 =	simm.s32 $0x0;
	[sflag:s8] =	ssyncadd.s32 $0xFFFFDD80  }
0x11: {  	v11 =	vld [tilespmem:s12+$0x0];
	_ =	sdelay $0x1  }
0x12: {  	v5 =	vld [tilespmem:s12+$0x10];
	_ =	sdelay $0x1  }
0x13: {  	v6 =	vld [tilespmem:s12+$0x20]  }
0x14: {  	vm2 =	veq.f32 v11, $-2.000000000e+00  }
0x15: {  	v8 =	vsel vm2, $0x3F800000, v0  }
0x16: {  	v7 =	vld [tilespmem:s12+$0x30];
	vm2 =	veq.f32 v5, $-2.000000000e+00;
	v9 =	vadd.f32 v8, v0  }
0x17: {  	v10 =	vsel vm2, $0x3F800000, v0  }
0x18: {  	v8 =	vld [tilespmem:s12+$0x40];
	vm2 =	veq.f32 v6, $-2.000000000e+00;
	v9 =	vadd.f32 v10, v9  }
0x19: {  	v10 =	vsel vm2, $0x3F800000, v0  }
0x1a: {  	v12 =	vadd.f32 v10, v9;
	v9 =	vld [tilespmem:s12+$0x50]  }
0x1b: {  	vm2 =	veq.f32 v7, $-2.000000000e+00  }
0x1c: {  	v13 =	vimm.f32 $-1.000000000e+01;
	v14 =	vsel vm2, $0x3F800000, v0;
	v10 =	vld [tilespmem:s12+$0x60]  }
0x1d: {  	s13 =	simm.s32 $0x380;
	v11 =	vmax.f32 v13, v11;
	s12 =	simm.s32 $0x70;
	vm2 =	veq.f32 v8, $-2.000000000e+00;
	v12 =	vadd.f32 v14, v12  }
.LBB2_2:
0x1e: {  	p0 =	sne.s32 s13, $0x86C0;
	v13 =	vld [tilespmem:s12+$0x0];
	v5 =	vmax.f32 v11, v5;
	v11 =	vsel vm2, $0x3F800000, v0  }
0x1f: {  	v6 =	vmax.f32 v5, v6;
	v11 =	vadd.f32 v11, v12;
	vm2 =	veq.f32 v9, $-2.000000000e+00  }
0x20: {  	v5 =	vld [tilespmem:s12+$0x10];
	v6 =	vmax.f32 v6, v7;
	v7 =	vsel vm2, $0x3F800000, v0  }
0x21: {  	v8 =	vmax.f32 v6, v8;
	v7 =	vadd.f32 v7, v11;
	vm2 =	veq.f32 v10, $-2.000000000e+00  }
0x22: {  	v6 =	vld [tilespmem:s12+$0x20];
	v8 =	vmax.f32 v8, v9;
	v9 =	vsel vm2, $0x3F800000, v0  }
0x23: {  	vm2 =	veq.f32 v13, $-2.000000000e+00;
	v11 =	vmax.f32 v8, v10;
	v8 =	vadd.f32 v9, v7  }
0x24: {  	v9 =	vsel vm2, $0x3F800000, v0;
	v7 =	vld [tilespmem:s12+$0x30]  }
0x25: {  	v9 =	vadd.f32 v9, v8;
	vm2 =	veq.f32 v5, $-2.000000000e+00  }
0x26: {  	v10 =	vsel vm2, $0x3F800000, v0;
	v8 =	vld [tilespmem:s12+$0x40]  }
.Ltmp0:
0x27: {  	v10 =	vadd.f32 v10, v9;
	vm2 =	veq.f32 v6, $-2.000000000e+00;
	(pc) =	sbr.rel @p0 .LBB2_2-.Ltmp0, $4  }
0x28: {  	v12 =	vsel vm2, $0x3F800000, v0;
	v9 =	vld [tilespmem:s12+$0x50]  }
0x29: {  	v12 =	vadd.f32 v12, v10;
	vm2 =	veq.f32 v7, $-2.000000000e+00  }
0x2a: {  	v14 =	vsel vm2, $0x3F800000, v0;
	v10 =	vld [tilespmem:s12+$0x60]  }
0x2b: {  	v11 =	vmax.f32 v11, v13;
	s12 =	sshra.s32 s13, $0x2;
	s13 =	sadd.s32 $0x1C0, s13;
	v12 =	vadd.f32 v14, v12;
	vm2 =	veq.f32 v8, $-2.000000000e+00  }
0x2c: {  	v13 =	vld [tilespmem:s12+$0x0];
	v14 =	vsel vm2, $0x3F800000, v0  }
0x2d: {  	v12 =	vadd.f32 v14, v12;
	vm2 =	veq.f32 v9, $-2.000000000e+00  }
0x2e: {  	v53 =	vld [tilespmem:s12+$0x10];
	v15 =	vsel vm2, $0x3F800000, v0  }
0x2f: {  	v12 =	vadd.f32 v15, v12;
	vm2 =	veq.f32 v10, $-2.000000000e+00  }
0x30: {  	v54 =	vld [tilespmem:s12+$0x20];
	v16 =	vsel vm2, $0x3F800000, v0  }
0x31: {  	vm2 =	veq.f32 v13, $-2.000000000e+00;
	v12 =	vadd.f32 v16, v12  }
0x32: {  	v17 =	vld [tilespmem:s12+$0x30];
	v55 =	vsel vm2, $0x3F800000, v0  }
0x33: {  	vm2 =	veq.f32 v53, $-2.000000000e+00;
	v12 =	vadd.f32 v55, v12  }
0x34: {  	v18 =	vld [tilespmem:s12+$0x40];
	v56 =	vsel vm2, $0x3F800000, v0  }
0x35: {  	vm2 =	veq.f32 v54, $-2.000000000e+00;
	v12 =	vadd.f32 v56, v12  }
0x36: {  	v19 =	vld [tilespmem:s12+$0x50];
	v57 =	vsel vm2, $0x3F800000, v0  }
0x37: {  	vm2 =	veq.f32 v17, $-2.000000000e+00;
	v12 =	vadd.f32 v57, v12  }
0x38: {  	v20 =	vld [tilespmem:s12+$0x60];
	v58 =	vsel vm2, $0x3F800000, v0  }
0x39: {  	vm2 =	veq.f32 v18, $-2.000000000e+00;
	v12 =	vadd.f32 v58, v12  }
0x3a: {  	v59 =	vsel vm2, $0x3F800000, v0  }
0x3b: {  	vm2 =	veq.f32 v19, $-2.000000000e+00;
	v12 =	vadd.f32 v59, v12  }
0x3c: {  	v60 =	vsel vm2, $0x3F800000, v0  }
0x3d: {  	vm2 =	veq.f32 v20, $-2.000000000e+00;
	v12 =	vadd.f32 v60, v12  }
0x3e: {  	v61 =	vsel vm2, $0x3F800000, v0  }
0x3f: {  	v12 =	vadd.f32 v61, v12;
	_ =	sdelay $0x1  }
0x40: {  	[tilespmem:$0x2300] =	vst v12  }
0x41: {  	v62 =	vld.idx.msk [tilespmem:v1+s9+$0x0], $0xffff;
	_ =	sdelay $0x4  }
0x42: {  	v12 =	vadd.f32 v62, v12;
	_ =	sdelay $0x1  }
0x43: {  	[tilespmem:$0x2300] =	vst v12  }
0x44: {  	v63 =	vld.idx.msk [tilespmem:v2+s9+$0x0], $0xffff;
	_ =	sdelay $0x2  }
0x45: {  	v5 =	vmax.f32 v11, v5  }
0x46: {  	v5 =	vmax.f32 v5, v6  }
0x47: {  	v5 =	vmax.f32 v5, v7;
	v6 =	vadd.f32 v63, v12  }
0x48: {  	v5 =	vmax.f32 v5, v8  }
0x49: {  	v5 =	vmax.f32 v5, v9;
	[tilespmem:$0x2300] =	vst v6  }
0x4a: {  	v5 =	vmax.f32 v5, v10;
	v7 =	vld.idx.msk [tilespmem:v3+s9+$0x0], $0xffff  }
0x4b: {  	v5 =	vmax.f32 v5, v13  }
0x4c: {  	v5 =	vmax.f32 v5, v53  }
0x4d: {  	v5 =	vmax.f32 v5, v54  }
0x4e: {  	v5 =	vmax.f32 v5, v17  }
0x4f: {  	v5 =	vmax.f32 v5, v18;
	v6 =	vadd.f32 v7, v6  }
0x50: {  	v5 =	vmax.f32 v5, v19  }
0x51: {  	v5 =	vmax.f32 v5, v20;
	[tilespmem:$0x2300] =	vst v6  }
0x52: {  	v7 =	vld.idx.msk [tilespmem:v4+s9+$0x0], $0xffff;
	[tilespmem:$0x2300] =	vst v5  }
0x53: {  	v8 =	vld.idx.msk [tilespmem:v1+s9+$0x0], $0xffff;
	_ =	sdelay $0x4  }
0x54: {  	v5 =	vmax.f32 v5, v8  }
0x55: {  	[tilespmem:$0x2300] =	vst v5  }
0x56: {  	v8 =	vld.idx.msk [tilespmem:v2+s9+$0x0], $0xffff;
	_ =	sdelay $0x4  }
0x57: {  	v5 =	vmax.f32 v5, v8  }
0x58: {  	[tilespmem:$0x2300] =	vst v5  }
0x59: {  	v8 =	vld.idx.msk [tilespmem:v3+s9+$0x0], $0xffff;
	_ =	sdelay $0x4  }
0x5a: {  	v8 =	vmax.f32 v5, v8  }
0x5b: {  	[tilespmem:$0x2300] =	vst v8  }
0x5c: {  	v9 =	vld.idx.msk [tilespmem:v4+s9+$0x0], $0xffff  }
0x5d: {  	v5 =	vadd.f32 v7, v6;
	_ =	sdelay $0x1  }
0x5e: {  	v6 =	vmul.f32 $3.000000000e+00, v5  }
0x5f: {  	v7 =	vsub.f32 $8.732000000e+03, v5  }
0x60: {  	v6 =	vmin.f32 v6, $8.731000000e+03;
	v8 =	vmax.f32 v8, v9  }
0x61: {  	s12 =	simm.s32 $0x0;
	v7 =	vmin.f32 v6, v7;
	v6 =	vadd.f32 $1.000000000e+00, v8;
	v8 =	vimm.f32 $-1.000000000e+00  }
.LBB2_4:
0x62: {  	s13 =	simm.s32 $0x0  }
0x63: {  	v10 =	vld [tilespmem:s13+$0x0]  }
0x64: {  	v9 =	vadd.f32 v6, v8  }
0x65: {  	v11 =	vld [tilespmem:s13+$0x10]  }
0x66: {  	v9 =	vmul.f32 $5.000000000e-01, v9  }
0x67: {  	v12 =	vld [tilespmem:s13+$0x20]  }
0x68: {  	vm2 =	vgt.f32 v10, v9  }
0x69: {  	v10 =	vimm.f32 $0.0e+00;
	v13 =	vsel vm2, $0x3F800000, v0  }
0x6a: {  	v14 =	vld [tilespmem:s13+$0x30];
	vm2 =	vgt.f32 v11, v9;
	v10 =	vadd.f32 v13, v10  }
0x6b: {  	v11 =	vsel vm2, $0x3F800000, v0  }
0x6c: {  	v13 =	vld [tilespmem:s13+$0x40];
	vm2 =	vgt.f32 v12, v9;
	v10 =	vadd.f32 v11, v10  }
0x6d: {  	v11 =	vsel vm2, $0x3F800000, v0  }
0x6e: {  	v12 =	vadd.f32 v11, v10;
	v11 =	vld [tilespmem:s13+$0x50]  }
0x6f: {  	vm2 =	vgt.f32 v14, v9  }
0x70: {  	v14 =	vsel vm2, $0x3F800000, v0;
	v10 =	vld [tilespmem:s13+$0x60]  }
0x71: {  	s14 =	simm.s32 $0x380;
	s13 =	simm.s32 $0x70;
	vm2 =	vgt.f32 v13, v9;
	v12 =	vadd.f32 v14, v12  }
.LBB2_5:
0x72: {  	p0 =	sne.s32 s14, $0x86C0;
	v13 =	vld [tilespmem:s13+$0x0];
	v14 =	vsel vm2, $0x3F800000, v0  }
0x73: {  	v12 =	vadd.f32 v14, v12;
	vm2 =	vgt.f32 v11, v9  }
0x74: {  	v11 =	vld [tilespmem:s13+$0x10];
	v14 =	vsel vm2, $0x3F800000, v0  }
0x75: {  	v12 =	vadd.f32 v14, v12;
	vm2 =	vgt.f32 v10, v9  }
0x76: {  	v10 =	vld [tilespmem:s13+$0x20];
	v14 =	vsel vm2, $0x3F800000, v0  }
0x77: {  	vm2 =	vgt.f32 v13, v9;
	v12 =	vadd.f32 v14, v12  }
0x78: {  	v13 =	vsel vm2, $0x3F800000, v0;
	v14 =	vld [tilespmem:s13+$0x30]  }
0x79: {  	v12 =	vadd.f32 v13, v12;
	vm2 =	vgt.f32 v11, v9  }
0x7a: {  	v11 =	vsel vm2, $0x3F800000, v0;
	v13 =	vld [tilespmem:s13+$0x40]  }
.Ltmp1:
0x7b: {  	v12 =	vadd.f32 v11, v12;
	vm2 =	vgt.f32 v10, v9;
	(pc) =	sbr.rel @p0 .LBB2_5-.Ltmp1, $4  }
0x7c: {  	v10 =	vsel vm2, $0x3F800000, v0;
	v11 =	vld [tilespmem:s13+$0x50]  }
0x7d: {  	v12 =	vadd.f32 v10, v12;
	vm2 =	vgt.f32 v14, v9  }
0x7e: {  	v14 =	vsel vm2, $0x3F800000, v0;
	v10 =	vld [tilespmem:s13+$0x60]  }
0x7f: {  	s13 =	sshra.s32 s14, $0x2;
	s14 =	sadd.s32 $0x1C0, s14;
	v12 =	vadd.f32 v14, v12;
	vm2 =	vgt.f32 v13, v9  }
0x80: {  	v13 =	vld [tilespmem:s13+$0x0];
	v14 =	vsel vm2, $0x3F800000, v0  }
0x81: {  	v12 =	vadd.f32 v14, v12;
	vm2 =	vgt.f32 v11, v9  }
0x82: {  	v11 =	vld [tilespmem:s13+$0x10];
	v58 =	vsel vm2, $0x3F800000, v0  }
0x83: {  	v12 =	vadd.f32 v58, v12;
	vm2 =	vgt.f32 v10, v9  }
0x84: {  	v10 =	vld [tilespmem:s13+$0x20];
	v59 =	vsel vm2, $0x3F800000, v0  }
0x85: {  	vm2 =	vgt.f32 v13, v9;
	v12 =	vadd.f32 v59, v12  }
0x86: {  	v60 =	vld [tilespmem:s13+$0x30];
	v13 =	vsel vm2, $0x3F800000, v0  }
0x87: {  	vm2 =	vgt.f32 v11, v9;
	v12 =	vadd.f32 v13, v12  }
0x88: {  	v61 =	vld [tilespmem:s13+$0x40];
	v11 =	vsel vm2, $0x3F800000, v0  }
0x89: {  	vm2 =	vgt.f32 v10, v9;
	v11 =	vadd.f32 v11, v12  }
0x8a: {  	v62 =	vld [tilespmem:s13+$0x50];
	v10 =	vsel vm2, $0x3F800000, v0  }
0x8b: {  	vm2 =	vgt.f32 v60, v9;
	v10 =	vadd.f32 v10, v11  }
0x8c: {  	v63 =	vld [tilespmem:s13+$0x60];
	v11 =	vsel vm2, $0x3F800000, v0  }
0x8d: {  	vm2 =	vgt.f32 v61, v9;
	v10 =	vadd.f32 v11, v10  }
0x8e: {  	v11 =	vsel vm2, $0x3F800000, v0  }
0x8f: {  	vm2 =	vgt.f32 v62, v9;
	v10 =	vadd.f32 v11, v10  }
0x90: {  	v11 =	vsel vm2, $0x3F800000, v0  }
0x91: {  	vm2 =	vgt.f32 v63, v9;
	v10 =	vadd.f32 v11, v10  }
0x92: {  	v11 =	vsel vm2, $0x3F800000, v0  }
0x93: {  	v10 =	vadd.f32 v11, v10;
	_ =	sdelay $0x1  }
0x94: {  	[tilespmem:$0x2300] =	vst v10  }
0x95: {  	v11 =	vld.idx.msk [tilespmem:v1+s9+$0x0], $0xffff;
	_ =	sdelay $0x4  }
0x96: {  	v10 =	vadd.f32 v11, v10;
	_ =	sdelay $0x1  }
0x97: {  	[tilespmem:$0x2300] =	vst v10  }
0x98: {  	v11 =	vld.idx.msk [tilespmem:v2+s9+$0x0], $0xffff;
	_ =	sdelay $0x4  }
0x99: {  	v10 =	vadd.f32 v11, v10;
	_ =	sdelay $0x1  }
0x9a: {  	[tilespmem:$0x2300] =	vst v10  }
0x9b: {  	v11 =	vld.idx.msk [tilespmem:v3+s9+$0x0], $0xffff;
	_ =	sdelay $0x4  }
0x9c: {  	v10 =	vadd.f32 v11, v10;
	_ =	sdelay $0x1  }
0x9d: {  	[tilespmem:$0x2300] =	vst v10  }
0x9e: {  	v11 =	vld.idx.msk [tilespmem:v4+s9+$0x0], $0xffff;
	_ =	sdelay $0x1  }
0x9f: {  	s12 =	sadd.s32 $0x1, s12  }
0xa0: {  	p0 =	sne.s32 s12, $0x18  }
.Ltmp2:
0xa1: {  	_ = 	snop;
	(pc) =	sbr.rel @p0 .LBB2_4-.Ltmp2, $3  }
0xa2: {  	v10 =	vadd.f32 v11, v10;
	_ =	sdelay $0x1  }
0xa3: {  	vm2 =	vge.f32 v10, v7  }
0xa4: {  	v8 =	vsel vm2, v9, v8;
	v6 =	vsel vm2, v6, v9  }
0xa5: {  	s12 =	simm.s32 $0x0  }
0xa6: {  	v8 =	vld [tilespmem:s12+$0x0];
	_ =	sdelay $0x1  }
0xa7: {  	v9 =	vld [tilespmem:s12+$0x10];
	_ =	sdelay $0x1  }
0xa8: {  	v10 =	vld [tilespmem:s12+$0x20]  }
0xa9: {  	vm2 =	vgt.f32 v8, v6  }
0xaa: {  	v11 =	vimm.f32 $0.0e+00;
	v12 =	vsel vm2, $0x3F800000, v0  }
0xab: {  	v13 =	vld [tilespmem:s12+$0x30];
	v8 =	vnsel vm2, $0x0, v8;
	vm2 =	vgt.f32 v9, v6;
	v12 =	vadd.f32 v12, v11  }
0xac: {  	v8 =	vadd.f32 v8, v11;
	v11 =	vsel vm2, $0x3F800000, v0  }
0xad: {  	v14 =	vnsel vm2, $0x0, v9;
	v9 =	vld [tilespmem:s12+$0x40];
	vm2 =	vgt.f32 v10, v6;
	v11 =	vadd.f32 v11, v12  }
0xae: {  	v8 =	vadd.f32 v14, v8;
	v12 =	vsel vm2, $0x3F800000, v0  }
0xaf: {  	v10 =	vnsel vm2, $0x0, v10;
	v12 =	vadd.f32 v12, v11;
	v11 =	vld [tilespmem:s12+$0x50]  }
0xb0: {  	vm2 =	vgt.f32 v13, v6;
	v14 =	vadd.f32 v10, v8  }
0xb1: {  	v13 =	vnsel vm2, $0x0, v13;
	v8 =	vsel vm2, $0x3F800000, v0;
	v10 =	vld [tilespmem:s12+$0x60]  }
0xb2: {  	s13 =	simm.s32 $0x380;
	s12 =	simm.s32 $0x70;
	vm2 =	vgt.f32 v9, v6;
	v8 =	vadd.f32 v8, v12;
	v12 =	vadd.f32 v13, v14  }
.LBB2_8:
0xb3: {  	p0 =	sne.s32 s13, $0x86C0;
	v13 =	vld [tilespmem:s12+$0x0];
	v14 =	vsel vm2, $0x3F800000, v0;
	v9 =	vnsel vm2, $0x0, v9  }
0xb4: {  	v8 =	vadd.f32 v14, v8;
	v9 =	vadd.f32 v9, v12;
	vm2 =	vgt.f32 v11, v6  }
0xb5: {  	v12 =	vld [tilespmem:s12+$0x10];
	v14 =	vsel vm2, $0x3F800000, v0;
	v11 =	vnsel vm2, $0x0, v11  }
0xb6: {  	v8 =	vadd.f32 v14, v8;
	v9 =	vadd.f32 v11, v9;
	vm2 =	vgt.f32 v10, v6  }
0xb7: {  	v11 =	vld [tilespmem:s12+$0x20];
	v14 =	vsel vm2, $0x3F800000, v0;
	v10 =	vnsel vm2, $0x0, v10  }
0xb8: {  	vm2 =	vgt.f32 v13, v6;
	v8 =	vadd.f32 v14, v8;
	v9 =	vadd.f32 v10, v9  }
0xb9: {  	v10 =	vsel vm2, $0x3F800000, v0;
	v13 =	vnsel vm2, $0x0, v13;
	v14 =	vld [tilespmem:s12+$0x30]  }
0xba: {  	v8 =	vadd.f32 v10, v8;
	v10 =	vadd.f32 v13, v9;
	vm2 =	vgt.f32 v12, v6  }
0xbb: {  	v13 =	vsel vm2, $0x3F800000, v0;
	v12 =	vnsel vm2, $0x0, v12;
	v9 =	vld [tilespmem:s12+$0x40]  }
.Ltmp3:
0xbc: {  	v8 =	vadd.f32 v13, v8;
	v10 =	vadd.f32 v12, v10;
	vm2 =	vgt.f32 v11, v6;
	(pc) =	sbr.rel @p0 .LBB2_8-.Ltmp3, $4  }
0xbd: {  	v12 =	vsel vm2, $0x3F800000, v0;
	v13 =	vnsel vm2, $0x0, v11;
	v11 =	vld [tilespmem:s12+$0x50]  }
0xbe: {  	v8 =	vadd.f32 v12, v8;
	v12 =	vadd.f32 v13, v10;
	vm2 =	vgt.f32 v14, v6  }
0xbf: {  	v13 =	vsel vm2, $0x3F800000, v0;
	v14 =	vnsel vm2, $0x0, v14;
	v10 =	vld [tilespmem:s12+$0x60]  }
0xc0: {  	s12 =	sshra.s32 s13, $0x2;
	s13 =	sadd.s32 $0x1C0, s13;
	v8 =	vadd.f32 v13, v8;
	v12 =	vadd.f32 v14, v12;
	vm2 =	vgt.f32 v9, v6  }
0xc1: {  	v13 =	vld [tilespmem:s12+$0x0];
	v9 =	vnsel vm2, $0x0, v9  }
0xc2: {  	v9 =	vadd.f32 v9, v12;
	vm3 =	vgt.f32 v11, v6  }
0xc3: {  	v32 =	vld [tilespmem:s12+$0x10];
	v11 =	vnsel vm3, $0x0, v11  }
0xc4: {  	v9 =	vadd.f32 v11, v9;
	vm4 =	vgt.f32 v10, v6  }
0xc5: {  	v33 =	vld [tilespmem:s12+$0x20];
	v10 =	vnsel vm4, $0x0, v10  }
0xc6: {  	vm5 =	vgt.f32 v13, v6;
	v9 =	vadd.f32 v10, v9  }
0xc7: {  	v35 =	vld [tilespmem:s12+$0x30];
	v34 =	vnsel vm5, $0x0, v13  }
0xc8: {  	vm6 =	vgt.f32 v32, v6;
	v9 =	vadd.f32 v34, v9  }
0xc9: {  	v37 =	vld [tilespmem:s12+$0x40];
	v36 =	vnsel vm6, $0x0, v32  }
0xca: {  	vm7 =	vgt.f32 v33, v6;
	v9 =	vadd.f32 v36, v9  }
0xcb: {  	v39 =	vld [tilespmem:s12+$0x50];
	v38 =	vnsel vm7, $0x0, v33  }
0xcc: {  	vm8 =	vgt.f32 v35, v6;
	v9 =	vadd.f32 v38, v9  }
0xcd: {  	v41 =	vld [tilespmem:s12+$0x60];
	v40 =	vnsel vm8, $0x0, v35  }
0xce: {  	vm9 =	vgt.f32 v37, v6;
	v9 =	vadd.f32 v40, v9  }
0xcf: {  	v42 =	vnsel vm9, $0x0, v37  }
0xd0: {  	vm10 =	vgt.f32 v39, v6;
	v9 =	vadd.f32 v42, v9  }
0xd1: {  	v43 =	vnsel vm10, $0x0, v39  }
0xd2: {  	vm11 =	vgt.f32 v41, v6;
	v9 =	vadd.f32 v43, v9  }
0xd3: {  	v44 =	vnsel vm11, $0x0, v41  }
0xd4: {  	v9 =	vadd.f32 v44, v9;
	_ =	sdelay $0x1  }
0xd5: {  	[tilespmem:$0x2300] =	vst v9  }
0xd6: {  	v45 =	vld.idx.msk [tilespmem:v1+s9+$0x0], $0xffff;
	_ =	sdelay $0x2  }
0xd7: {  	v46 =	vsel vm2, $0x3F800000, v0  }
0xd8: {  	v8 =	vadd.f32 v46, v8  }
0xd9: {  	v47 =	vsel vm3, $0x3F800000, v0;
	v9 =	vadd.f32 v45, v9  }
0xda: {  	v8 =	vadd.f32 v47, v8  }
0xdb: {  	v48 =	vsel vm4, $0x3F800000, v0;
	[tilespmem:$0x2300] =	vst v9  }
0xdc: {  	v8 =	vadd.f32 v48, v8;
	v49 =	vld.idx.msk [tilespmem:v2+s9+$0x0], $0xffff  }
0xdd: {  	v50 =	vsel vm5, $0x3F800000, v0  }
0xde: {  	v8 =	vadd.f32 v50, v8  }
0xdf: {  	v51 =	vsel vm6, $0x3F800000, v0  }
0xe0: {  	v8 =	vadd.f32 v51, v8  }
0xe1: {  	v52 =	vsel vm7, $0x3F800000, v0;
	v9 =	vadd.f32 v49, v9  }
0xe2: {  	v8 =	vadd.f32 v52, v8  }
0xe3: {  	v53 =	vsel vm8, $0x3F800000, v0;
	[tilespmem:$0x2300] =	vst v9  }
0xe4: {  	v8 =	vadd.f32 v53, v8;
	v54 =	vld.idx.msk [tilespmem:v3+s9+$0x0], $0xffff  }
0xe5: {  	v55 =	vsel vm9, $0x3F800000, v0  }
0xe6: {  	v8 =	vadd.f32 v55, v8  }
0xe7: {  	v56 =	vsel vm10, $0x3F800000, v0  }
0xe8: {  	v8 =	vadd.f32 v56, v8  }
0xe9: {  	v57 =	vsel vm11, $0x3F800000, v0;
	v9 =	vadd.f32 v54, v9  }
0xea: {  	v8 =	vadd.f32 v57, v8  }
0xeb: {  	[tilespmem:$0x2300] =	vst v9  }
0xec: {  	v58 =	vld.idx.msk [tilespmem:v4+s9+$0x0], $0xffff;
	[tilespmem:$0x2300] =	vst v8  }
0xed: {  	v59 =	vld.idx.msk [tilespmem:v1+s9+$0x0], $0xffff;
	_ =	sdelay $0x4  }
0xee: {  	v8 =	vadd.f32 v59, v8;
	_ =	sdelay $0x1  }
0xef: {  	[tilespmem:$0x2300] =	vst v8  }
0xf0: {  	v60 =	vld.idx.msk [tilespmem:v2+s9+$0x0], $0xffff;
	_ =	sdelay $0x4  }
0xf1: {  	v8 =	vadd.f32 v60, v8;
	_ =	sdelay $0x1  }
0xf2: {  	[tilespmem:$0x2300] =	vst v8  }
0xf3: {  	v61 =	vld.idx.msk [tilespmem:v3+s9+$0x0], $0xffff;
	_ =	sdelay $0x4  }
0xf4: {  	v8 =	vadd.f32 v61, v8;
	_ =	sdelay $0x1  }
0xf5: {  	[tilespmem:$0x2300] =	vst v8  }
0xf6: {  	v62 =	vld.idx.msk [tilespmem:v4+s9+$0x0], $0xffff;
	_ =	sdelay $0x4  }
0xf7: {  	v8 =	vadd.f32 v62, v8;
	_ =	sdelay $0x1  }
0xf8: {  	v7 =	vsub.f32 v7, v8;
	_ =	sdelay $0x1  }
0xf9: {  	v63 =	vadd.f32 v58, v9;
	v6 =	vmul.f32 v7, v6;
	_ =	sdelay $0x1  }
0xfa: {  	v6 =	vadd.f32 v6, v63  }
0xfb: {  	v5 =	vsel vm0, $0x0, v5;
	s11 =	sadd.s32 $0x1, s11  }
0xfc: {  	p0 =	sne.s32 s11, s5;
	v5 =	vsel vm1, v6, v5  }
.Ltmp4:
0xfd: {  	[tilespmem:$0x2280] =	vst v5;
	(pc) =	sbr.rel @p0 .LBB2_1-.Ltmp4, $4  }
0xfe: {  	[hbm4b:s4+s1] =	stream.linear.scatter [tilespmem:s10], [sflag:$0x1], $0x80, $0x38;
	[tilespmem:$0x2380] =	vst v63  }
0xff: {  	_ =	swait.ge [sflag:s8], $0x80  }
0x100: {  	[sflag:s8] =	ssyncset.done $0x0  }
0x101: {  	[sflag:s8] =	ssyncadd.s32 $0xFFFFFF80  }
0x102: {  	_ =	sfence.sel $0x180000  }
0x103: {  	[bflag:$0x0] =	sbarrier.arrive $0xFFFF  }
0x104: {  	p0 =	sne.s32 s2, $0x0;
	_ =	strace $0x90000047  }
0x105: {  	s0 =	sadd.s32 @!p0 $0x100000, s0;
	[bflag:$0x2] =	sbarrier.arrive $0xFFFF  }
0x106: {  	[sflag:s0] =	ssyncadd.tile.s32 @!p0 $0x1;
	_ =	shalt  }
.Lfunc_end2:
_tile_overlayer_lowered:
.L_overlay_start_2:
0x107: {  	(tag) =	ssettag $0x2  }
0x108: {  	s0 =	rddreg [dreg:$0x0];
	s2 =	stileid.u32  }
0x109: {  	s1 =	rddreg [dreg:$0x1];
	p0 =	sne.s32 s2, $0x0  }
0x10a: {  	s3 =	rddreg [dreg:$0x2];
	[bflag:$0x3] =	sbarrier.arrive $0xFFFF;
	s2 =	simm.s32 @!p0 $0x1C01  }
0x10b: {  	[timem:s3], [sflag:s2] =	dma.local @!p0 [hbm:s0], s1  }
0x10c: {  	s0 =	simm.s32 @!p0 $0x1  }
0x10d: {  	_ =	swait.ge @!p0 [sflag:s0], s1  }
0x10e: {  	s1 =	ssub.s32 @!p0 $0x0, s1;
	[sflag:s0] =	ssyncset.done @!p0 $0x0  }
0x10f: {  	[sflag:s0] =	ssyncadd.s32 @!p0 s1  }
0x110: {  	[bflag:$0x3] =	sbarrier.arrive $0xFFFF  }
0x111: {  	_ =	shalt  }

</sc_bundles>
